<compile_context>
chip_gen: v7x
topology: tpu7x:2x2x1
jax: 0.10.2.dev20260603
libtpu: 0.0.44.dev20260713+nightly
codegen_flags: <defaults>
</compile_context>

<pallas_src>
import functools

import jax
import jax.numpy as jnp
from jax import lax
from jax.experimental import pallas as pl
from jax.experimental.pallas import tpu as pltpu
from jax.experimental.pallas import tpu_sc as plsc

K = 8
BF = jnp.bfloat16
F32 = jnp.float32


def _dense_body(x_ref, wdr_ref, bdr_ref, wa1_ref, ba1_ref, wa2_ref,
                ba2_ref, mid_ref, aa_ref):
  x = x_ref[...].astype(BF)
  mid = jnp.maximum(
      jnp.dot(x, wdr_ref[...], preferred_element_type=F32) + bdr_ref[...],
      0.0)
  t = jnp.tanh(
      jnp.dot(mid.astype(BF), wa1_ref[...], preferred_element_type=F32)
      + ba1_ref[...])
  aa = jnp.dot(t.astype(BF), wa2_ref[...],
               preferred_element_type=F32)[:, 0:1] + ba2_ref[...]
  mid_ref[...] = mid
  aa_ref[...] = aa


def _dense(tfeat, W_dr, b_dr, Wa1, ba1, Wa2, ba2, br):
  n, in_dim = tfeat.shape
  m = W_dr.shape[1]
  h = Wa1.shape[1]
  full = lambda shape: pl.BlockSpec(shape, lambda i: (0, 0))
  wa2p = jnp.pad(Wa2, ((0, 0), (0, 128 - Wa2.shape[1])))
  return pl.pallas_call(
      _dense_body,
      grid=(n // br,),
      in_specs=[
          pl.BlockSpec((br, in_dim), lambda i: (i, 0)),
          full((in_dim, m)),
          full((1, m)),
          full((m, h)),
          full((1, h)),
          full((h, 128)),
          full((1, 1)),
      ],
      out_specs=[
          pl.BlockSpec((br, m), lambda i: (i, 0)),
          pl.BlockSpec((br, 1), lambda i: (i, 0)),
      ],
      out_shape=[
          jax.ShapeDtypeStruct((n, m), F32),
          jax.ShapeDtypeStruct((n, 1), F32),
      ],
  )(tfeat, W_dr.astype(BF), b_dr.reshape(1, m), Wa1.astype(BF),
    ba1.reshape(1, h), wa2p.astype(BF), ba2.reshape(1, 1))


def _sc_gather(idx_flat, aa, mid, nw, nc, batch):
  b = idx_flat.shape[0]
  m = mid.shape[1]
  npw = b // nw
  nb = npw // batch
  mesh = plsc.VectorSubcoreMesh(core_axis_name="c", subcore_axis_name="s")

  @functools.partial(
      pl.kernel,
      out_type=[
          jax.ShapeDtypeStruct((b,), F32),
          jax.ShapeDtypeStruct((b, m), F32),
      ],
      mesh=mesh,
      scratch_types=[
          pltpu.VMEM((npw,), jnp.int32),
          pltpu.VMEM((npw,), F32),
          pltpu.VMEM((batch,), jnp.int32),
          pltpu.VMEM((batch, m), F32),
          pltpu.SemaphoreType.DMA,
      ],
  )
  def body(idx_hbm, aa_hbm, mid_hbm, oa_hbm, om_hbm,
           idx_v, aa_v, idx_b, rows_v, sem):
    wid = lax.axis_index("s") * nc + lax.axis_index("c")
    base = wid * npw
    pltpu.sync_copy(idx_hbm.at[pl.ds(base, npw)], idx_v)
    c0 = pltpu.make_async_copy(aa_hbm.at[idx_v], aa_v, sem)
    c0.start()
    c0.wait()
    pltpu.sync_copy(aa_v, oa_hbm.at[pl.ds(base, npw)])

    def step(i, _):
      off = base + i * batch
      pltpu.sync_copy(idx_hbm.at[pl.ds(off, batch)], idx_b)
      c = pltpu.make_async_copy(mid_hbm.at[idx_b], rows_v, sem)
      c.start()
      c.wait()
      pltpu.sync_copy(rows_v, om_hbm.at[pl.ds(off, batch)])
      return 0

    lax.fori_loop(0, nb, step, 0)

  return body(idx_flat, aa, mid)


def _make_chunkmm_body(chunk, cp, st, m):
  r = cp // 128
  rt = st // 128

  def body(aa_ref, aasub_ref, gmid_ref, wc_ref, key_ref, tatt_ref):
    t = pl.program_id(1)
    aa = aa_ref[0]
    pos = (lax.broadcasted_iota(jnp.int32, (r, 128), 0) * 128
           + lax.broadcasted_iota(jnp.int32, (r, 128), 1))
    valid = pos < chunk
    mx = jnp.max(jnp.where(valid, aa, jnp.float32(-jnp.inf)))
    z = jnp.sum(jnp.where(valid, jnp.exp(aa - mx), 0.0))
    aas = aasub_ref[0]
    rowpos = t * st + lax.broadcasted_iota(jnp.int32, (st, 1), 0)
    w = jnp.where(rowpos < chunk, jnp.exp(aas - mx) / z, 0.0)
    af = gmid_ref[0] * w
    logits = jnp.dot(af.astype(BF), wc_ref[...], preferred_element_type=F32)
    l0 = logits[:, 0:1]
    l1 = logits[:, 1:2]
    m2 = jnp.maximum(l0, l1)
    e0 = jnp.exp(l0 - m2)
    e1 = jnp.exp(l1 - m2)
    key_ref[0] = e1 / (e0 + e1)
    part = jnp.sum(af, axis=0, keepdims=True)

    @pl.when(t == 0)
    def _():
      tatt_ref[0] = part

    @pl.when(t != 0)
    def _():
      tatt_ref[0] = tatt_ref[0] + part

  return body


def _chunkmm(aa_g, gmid, Wc, chunk, cp, st):
  g = aa_g.size // cp
  r = cp // 128
  m = gmid.shape[1]
  nt = cp // st
  body = _make_chunkmm_body(chunk, cp, st, m)
  keys, tatt = pl.pallas_call(
      body,
      grid=(g, nt),
      in_specs=[
          pl.BlockSpec((1, r, 128), lambda i, t: (i, 0, 0)),
          pl.BlockSpec((1, st, 1), lambda i, t: (i, t, 0)),
          pl.BlockSpec((1, st, m), lambda i, t: (i, t, 0)),
          pl.BlockSpec((m, 2), lambda i, t: (0, 0)),
      ],
      out_specs=[
          pl.BlockSpec((1, st, 1), lambda i, t: (i, t, 0)),
          pl.BlockSpec((1, 1, m), lambda i, t: (i, 0, 0)),
      ],
      out_shape=[
          jax.ShapeDtypeStruct((g, cp, 1), F32),
          jax.ShapeDtypeStruct((g, 1, m), F32),
      ],
  )(aa_g.reshape(g, r, 128), aa_g.reshape(g, cp, 1),
    gmid.reshape(g, cp, m), Wc.astype(BF))
  return keys, tatt


def _make_select_body(chunk, cp, m):
  r = cp // 128

  def body(key_ref, tatt_ref, gmid_ref, wc_ref, bc_ref, pred_ref, feat_ref,
           rows_v, sem):
    gi = pl.program_id(0)
    key = key_ref[0]
    pos = (lax.broadcasted_iota(jnp.int32, (r, 128), 0) * 128
           + lax.broadcasted_iota(jnp.int32, (r, 128), 1))
    valid = pos < chunk
    neg = jnp.float32(-jnp.inf)
    posf = jnp.float32(jnp.inf)
    km = jnp.where(valid, key, neg)
    kn = jnp.where(valid, key, posf)
    sel = []
    for _ in range(K):
      mv = jnp.max(km)
      j = jnp.min(jnp.where(km == mv, pos, cp))
      sel.append(j)
      km = jnp.where(pos == j, neg, km)
    mins = []
    for _ in range(K):
      mv = jnp.min(kn)
      j = jnp.max(jnp.where(kn == mv, pos, -1))
      mins.append(j)
      kn = jnp.where(pos == j, posf, kn)
    order = sel + mins[::-1]
    copies = []
    for t, j in enumerate(order):
      row = gi * cp + j
      c = pltpu.make_async_copy(
          gmid_ref.at[pl.ds(row, 1)], rows_v.at[pl.ds(t, 1)], sem)
      c.start()
      copies.append(c)
    for c in copies:
      c.wait()
    feat_ref[0] = rows_v[...]
    pv = jnp.dot(tatt_ref[0].astype(BF), wc_ref[...],
                 preferred_element_type=F32)
    pred_ref[0] = pv + bc_ref[...]

  return body


def _select(keys, tatt, gmid_flat, Wc, bc, chunk, cp):
  g = keys.shape[0]
  r = cp // 128
  m = gmid_flat.shape[1]
  body = _make_select_body(chunk, cp, m)
  preds, feats = pl.pallas_call(
      body,
      grid=(g,),
      in_specs=[
          pl.BlockSpec((1, r, 128), lambda i: (i, 0, 0)),
          pl.BlockSpec((1, 1, m), lambda i: (i, 0, 0)),
          pl.BlockSpec(memory_space=pl.ANY),
          pl.BlockSpec((m, 2), lambda i: (0, 0)),
          pl.BlockSpec((1, 2), lambda i: (0, 0)),
      ],
      out_specs=[
          pl.BlockSpec((1, 1, 2), lambda i: (i, 0, 0)),
          pl.BlockSpec((1, 2 * K, m), lambda i: (i, 0, 0)),
      ],
      out_shape=[
          jax.ShapeDtypeStruct((g, 1, 2), F32),
          jax.ShapeDtypeStruct((g, 2 * K, m), F32),
      ],
      scratch_shapes=[
          pltpu.VMEM((2 * K, m), F32),
          pltpu.SemaphoreType.DMA,
      ],
  )(keys.reshape(g, r, 128), tatt, gmid_flat, Wc.astype(BF),
    bc.reshape(1, 2))
  return preds, feats


def kernel(tfeat_tensor, index_chunk_list, W_dr, b_dr, Wa1, ba1, Wa2, ba2,
           Wc, bc):
  n, in_dim = tfeat_tensor.shape
  g, chunk = index_chunk_list.shape
  m = W_dr.shape[1]

  br = 1
  for cand in range(min(n, 1024), 7, -1):
    if n % cand == 0 and cand % 8 == 0:
      br = cand
      break
  if br == 1:
    br = n

  mid, aa = _dense(tfeat_tensor, W_dr, b_dr, Wa1, ba1, Wa2, ba2, br)
  aa = aa.reshape(n)

  info = plsc.get_sparse_core_info()
  nc, ns = info.num_cores, info.num_subcores
  nw = nc * ns

  cp = pl.cdiv(chunk, 128) * 128
  while (g * cp) % (8 * nw) != 0 or ((g * cp) // nw) % 8 != 0:
    cp += 128
  idx32 = index_chunk_list.astype(jnp.int32)
  idx_pad = jnp.pad(idx32, ((0, 0), (0, cp - chunk)))

  npw = (g * cp) // nw
  batch = 160 if npw % 160 == 0 else 8
  aa_g, gmid = _sc_gather(idx_pad.reshape(g * cp), aa, mid, nw, nc, batch)

  st = cp
  for cand in range(1280, 127, -128):
    if cp % cand == 0:
      st = cand
      break

  keys, tatt = _chunkmm(aa_g, gmid, Wc, chunk, cp, st)
  preds, feats = _select(keys, tatt, gmid, Wc, bc, chunk, cp)
  return preds, feats

# --- scband reference (transcript-rebuilt; emitter-appended) ---
"""Pipeline reference for scband-model1-63745904608086 (READ-ONLY COPY).

The authoritative reference and input builder live on the scoring server;
editing this copy changes nothing except your own understanding.
"""

import jax, jax.numpy as jnp
import numpy as np

N = 50000      # total instances (patches) in the slide
IN = 1024      # input feature dim (self.in_chn)
M = 512        # mDim
NCLS = 2       # num_cls
G = 8          # numGroup
CHUNK = 6250   # instances per chunk (N // G)
K = 8          # instance_per_group = total_instance // numGroup


def setup_inputs(seed: int = 0) -> dict:
    key = jax.random.key(seed)
    ks = jax.random.split(key, 10)
    tfeat_tensor = jax.random.normal(ks[0], (N, IN), dtype=jnp.float32)
    index_chunk_list = jax.random.randint(ks[1], (G, CHUNK), 0, N, dtype=jnp.int64) if jax.config.jax_enable_x64 else jax.random.randint(ks[1], (G, CHUNK), 0, N, dtype=jnp.int32)
    # DimReduction: Linear(1024 -> 512) + ReLU (numLayer_Res = 0)
    W_dr = jax.random.normal(ks[2], (IN, M), dtype=jnp.float32) * 0.02
    b_dr = jnp.zeros((M,), dtype=jnp.float32)
    # Attention: Linear(512 -> 128), Tanh, Linear(128 -> 1)
    Wa1 = jax.random.normal(ks[3], (M, 128), dtype=jnp.float32) * 0.05
    ba1 = jnp.zeros((128,), dtype=jnp.float32)
    Wa2 = jax.random.normal(ks[4], (128, 1), dtype=jnp.float32) * 0.05
    ba2 = jnp.zeros((1,), dtype=jnp.float32)
    # Classifier_1fc: Linear(512 -> 2) (droprate = 0)
    Wc = jax.random.normal(ks[5], (M, NCLS), dtype=jnp.float32) * 0.05
    bc = jnp.zeros((NCLS,), dtype=jnp.float32)
    return {
        "tfeat_tensor": tfeat_tensor,
        "index_chunk_list": index_chunk_list,
        "W_dr": W_dr, "b_dr": b_dr,
        "Wa1": Wa1, "ba1": ba1, "Wa2": Wa2, "ba2": ba2,
        "Wc": Wc, "bc": bc,
    }


def reference(tfeat_tensor, index_chunk_list, W_dr, b_dr, Wa1, ba1, Wa2, ba2, Wc, bc):
    # inference path (training=False): shared dimReduction + un-normalized attention scores
    midFeat = jax.nn.relu(tfeat_tensor @ W_dr + b_dr)                    # [N, M]
    AA = (jnp.tanh(midFeat @ Wa1 + ba1) @ Wa2 + ba2)[:, 0]               # [N] (isNorm=False)

    def per_chunk(idx):
        tmidFeat = midFeat[idx]                                          # [CHUNK, M] gather
        tAA = jax.nn.softmax(AA[idx], axis=0)                            # per-chunk softmax
        tattFeats = tmidFeat * tAA[:, None]                              # einsum('ns,n->ns')
        tattFeat_tensor = jnp.sum(tattFeats, axis=0, keepdims=True)      # [1, M]
        tPredict = tattFeat_tensor @ Wc + bc                             # [1, NCLS]
        # get_cam_1d: einsum('bgf,cf->bcg', feats, classifier.fc.weight) -> transpose -> [CHUNK, NCLS]
        patch_pred_logits = tattFeats @ Wc                               # [CHUNK, NCLS] (no bias)
        patch_pred_softmax = jax.nn.softmax(patch_pred_logits, axis=1)
        sort_idx = jnp.argsort(-patch_pred_softmax[:, -1])               # descending sort by last class
        topk_idx_max = sort_idx[:K]
        topk_idx_min = sort_idx[-K:]
        topk_idx = jnp.concatenate([topk_idx_max, topk_idx_min], axis=0)
        MaxMin_inst_feat = tmidFeat[topk_idx]                            # [2K, M] (distill='MaxMinS')
        return tPredict, MaxMin_inst_feat

    slide_sub_preds, slide_pseudo_feat = jax.vmap(per_chunk)(index_chunk_list)
    # slide_sub_preds: [G, 1, NCLS]; slide_pseudo_feat: [G, 2K, M]
    return slide_sub_preds, slide_pseudo_feat

if __name__ == "__main__":
    import jax
    _d = setup_inputs()
    print(jax.jit(kernel)(*tuple(_d.values())))

</pallas_src>

<mosaic_0001>
#map = affine_map<(d0, d1) -> (0)>
#map1 = affine_map<(d0, d1) -> (0, 0)>
module attributes {stable_mosaic.version = 14 : i64} {
  func.func @body(%arg0: i32, %arg1: i32, %arg2: memref<50176xi32, #tpu.memory_space<hbm>>, %arg3: memref<50000xf32, #tpu.memory_space<hbm>>, %arg4: memref<50000x512xf32, #tpu.memory_space<hbm>>, %arg5: memref<50176xf32, #tpu.memory_space<hbm>>, %arg6: memref<50176x512xf32, #tpu.memory_space<hbm>>, %arg7: memref<1568xi32, #tpu.memory_space<vmem>>, %arg8: memref<1568xf32, #tpu.memory_space<vmem>>, %arg9: memref<8xi32, #tpu.memory_space<vmem>>, %arg10: memref<8x512xf32, #tpu.memory_space<vmem>>, %arg11: memref<!tpu.dma_semaphore, #tpu.memory_space<semaphore_mem>>) attributes {dimension_semantics = [#tpu.dimension_semantics<core_parallel>, #tpu.dimension_semantics<subcore_parallel>], iteration_bounds = array<i64: 2, 16>, scalar_prefetch = 0 : i64, scratch_operands = 5 : i64, tpu.core_type = #tpu.core_type<sc_vector_subcore>, window_params = [{transform_indices = #map}, {transform_indices = #map}, {transform_indices = #map1}, {transform_indices = #map}, {transform_indices = #map1}]} {
    %mul3A = arith.constant 2 : i32
    %mul3A_0 = arith.muli %arg1, %mul3A : i32
    %add3A = arith.addi %mul3A_0, %arg0 : i32
    %mul3A_1 = arith.constant 1568 : i32
    %mul3A_2 = arith.muli %add3A, %mul3A_1 : i32
    "tpu.region"() ({
      %run_scoped3A = tpu.sem_alloc : memref<!tpu.dma_semaphore, #tpu.memory_space<semaphore_mem>>
      %dma_start3A_11 = tpu.memref_slice %arg2[%mul3A_2] : memref<50176xi32, #tpu.memory_space<hbm>> -> memref<1568xi32, #tpu.memory_space<hbm>>
      %dma_start3A_12 = tpu.memref_slice %arg2[%mul3A_2] : memref<50176xi32, #tpu.memory_space<hbm>> -> memref<1568xi32, #tpu.memory_space<hbm>>
      tpu.enqueue_dma source(%dma_start3A_12 : memref<1568xi32, #tpu.memory_space<hbm>>) target(%arg7 : memref<1568xi32, #tpu.memory_space<vmem>>) target_semaphore(%run_scoped3A : memref<!tpu.dma_semaphore, #tpu.memory_space<semaphore_mem>>)
      %dma_wait3A_13 = tpu.memref_slice %arg2[%mul3A_2] : memref<50176xi32, #tpu.memory_space<hbm>> -> memref<1568xi32, #tpu.memory_space<hbm>>
      %dma_wait3A_14 = tpu.memref_slice %arg2[%mul3A_2] : memref<50176xi32, #tpu.memory_space<hbm>> -> memref<1568xi32, #tpu.memory_space<hbm>>
      tpu.wait_dma2 semaphore(%run_scoped3A : memref<!tpu.dma_semaphore, #tpu.memory_space<semaphore_mem>>) src(%dma_wait3A_14 : memref<1568xi32, #tpu.memory_space<hbm>>) dst(%arg7 : memref<1568xi32, #tpu.memory_space<vmem>>)
      tpu.yield
    }) : () -> ()
    %dma_start3A = arith.constant 0 : i32
    %dma_start3A_3 = tpu.memref_slice %arg3[%dma_start3A] : memref<50000xf32, #tpu.memory_space<hbm>> -> memref<50000xf32, #tpu.memory_space<hbm>>
    tpu.enqueue_indirect_dma source(%dma_start3A_3 : memref<50000xf32, #tpu.memory_space<hbm>>) target(%arg8 : memref<1568xf32, #tpu.memory_space<vmem>>) offsets(%arg7 : memref<1568xi32, #tpu.memory_space<vmem>>) semaphore(%arg11 : memref<!tpu.dma_semaphore, #tpu.memory_space<semaphore_mem>>)
    %dma_wait3A = arith.constant 0 : i32
    %dma_wait3A_4 = tpu.memref_slice %arg3[%dma_wait3A] : memref<50000xf32, #tpu.memory_space<hbm>> -> memref<50000xf32, #tpu.memory_space<hbm>>
    tpu.wait_indirect_dma semaphore(%arg11 : memref<!tpu.dma_semaphore, #tpu.memory_space<semaphore_mem>>) src(%dma_wait3A_4 : memref<50000xf32, #tpu.memory_space<hbm>>) dst(%arg8 : memref<1568xf32, #tpu.memory_space<vmem>>)
    "tpu.region"() ({
      %run_scoped3A = tpu.sem_alloc : memref<!tpu.dma_semaphore, #tpu.memory_space<semaphore_mem>>
      %dma_start3A_11 = tpu.memref_slice %arg5[%mul3A_2] : memref<50176xf32, #tpu.memory_space<hbm>> -> memref<1568xf32, #tpu.memory_space<hbm>>
      %dma_start3A_12 = tpu.memref_slice %arg5[%mul3A_2] : memref<50176xf32, #tpu.memory_space<hbm>> -> memref<1568xf32, #tpu.memory_space<hbm>>
      tpu.enqueue_dma source(%arg8 : memref<1568xf32, #tpu.memory_space<vmem>>) target(%dma_start3A_12 : memref<1568xf32, #tpu.memory_space<hbm>>) target_semaphore(%run_scoped3A : memref<!tpu.dma_semaphore, #tpu.memory_space<semaphore_mem>>)
      %dma_wait3A_13 = tpu.memref_slice %arg5[%mul3A_2] : memref<50176xf32, #tpu.memory_space<hbm>> -> memref<1568xf32, #tpu.memory_space<hbm>>
      %dma_wait3A_14 = tpu.memref_slice %arg5[%mul3A_2] : memref<50176xf32, #tpu.memory_space<hbm>> -> memref<1568xf32, #tpu.memory_space<hbm>>
      tpu.wait_dma2 semaphore(%run_scoped3A : memref<!tpu.dma_semaphore, #tpu.memory_space<semaphore_mem>>) src(%arg8 : memref<1568xf32, #tpu.memory_space<vmem>>) dst(%dma_wait3A_14 : memref<1568xf32, #tpu.memory_space<hbm>>)
      tpu.yield
    }) : () -> ()
    %scan3A = arith.constant 0 : i32
    %scan3A_5 = arith.constant 0 : i32
    %scan3A_6 = arith.constant 196 : i32
    %scan3A_7 = arith.addi %scan3A_5, %scan3A_6 : i32
    %scan3A_8 = arith.constant 1 : i32
    %scan3A_9 = scf.for %scan3A_11 = %scan3A_5 to %scan3A_7 step %scan3A_8 iter_args(%scan3A_12 = %scan3A) -> (i32)  : i32 {
      %mul3A_13 = arith.constant 8 : i32
      %mul3A_14 = arith.muli %scan3A_11, %mul3A_13 : i32
      %add3A_15 = arith.addi %mul3A_2, %mul3A_14 : i32
      "tpu.region"() ({
        %run_scoped3A = tpu.sem_alloc : memref<!tpu.dma_semaphore, #tpu.memory_space<semaphore_mem>>
        %dma_start3A_23 = tpu.memref_slice %arg2[%add3A_15] : memref<50176xi32, #tpu.memory_space<hbm>> -> memref<8xi32, #tpu.memory_space<hbm>>
        %dma_start3A_24 = tpu.memref_slice %arg2[%add3A_15] : memref<50176xi32, #tpu.memory_space<hbm>> -> memref<8xi32, #tpu.memory_space<hbm>>
        tpu.enqueue_dma source(%dma_start3A_24 : memref<8xi32, #tpu.memory_space<hbm>>) target(%arg9 : memref<8xi32, #tpu.memory_space<vmem>>) target_semaphore(%run_scoped3A : memref<!tpu.dma_semaphore, #tpu.memory_space<semaphore_mem>>)
        %dma_wait3A_25 = tpu.memref_slice %arg2[%add3A_15] : memref<50176xi32, #tpu.memory_space<hbm>> -> memref<8xi32, #tpu.memory_space<hbm>>
        %dma_wait3A_26 = tpu.memref_slice %arg2[%add3A_15] : memref<50176xi32, #tpu.memory_space<hbm>> -> memref<8xi32, #tpu.memory_space<hbm>>
        tpu.wait_dma2 semaphore(%run_scoped3A : memref<!tpu.dma_semaphore, #tpu.memory_space<semaphore_mem>>) src(%dma_wait3A_26 : memref<8xi32, #tpu.memory_space<hbm>>) dst(%arg9 : memref<8xi32, #tpu.memory_space<vmem>>)
        tpu.yield
      }) : () -> ()
      %dma_start3A_16 = arith.constant 0 : i32
      %dma_start3A_17 = arith.constant 0 : i32
      %dma_start3A_18 = tpu.memref_slice %arg4[%dma_start3A_16, %dma_start3A_17] : memref<50000x512xf32, #tpu.memory_space<hbm>> -> memref<50000x512xf32, #tpu.memory_space<hbm>>
      tpu.enqueue_indirect_dma source(%dma_start3A_18 : memref<50000x512xf32, #tpu.memory_space<hbm>>) target(%arg10 : memref<8x512xf32, #tpu.memory_space<vmem>>) offsets(%arg9 : memref<8xi32, #tpu.memory_space<vmem>>) semaphore(%arg11 : memref<!tpu.dma_semaphore, #tpu.memory_space<semaphore_mem>>)
      %dma_wait3A_19 = arith.constant 0 : i32
      %dma_wait3A_20 = arith.constant 0 : i32
      %dma_wait3A_21 = tpu.memref_slice %arg4[%dma_wait3A_19, %dma_wait3A_20] : memref<50000x512xf32, #tpu.memory_space<hbm>> -> memref<50000x512xf32, #tpu.memory_space<hbm>>
      tpu.wait_indirect_dma semaphore(%arg11 : memref<!tpu.dma_semaphore, #tpu.memory_space<semaphore_mem>>) src(%dma_wait3A_21 : memref<50000x512xf32, #tpu.memory_space<hbm>>) dst(%arg10 : memref<8x512xf32, #tpu.memory_space<vmem>>)
      "tpu.region"() ({
        %run_scoped3A = tpu.sem_alloc : memref<!tpu.dma_semaphore, #tpu.memory_space<semaphore_mem>>
        %dma_start3A_23 = arith.constant 0 : i32
        %dma_start3A_24 = tpu.memref_slice %arg6[%add3A_15, %dma_start3A_23] : memref<50176x512xf32, #tpu.memory_space<hbm>> -> memref<8x512xf32, #tpu.memory_space<hbm>>
        %dma_start3A_25 = arith.constant 0 : i32
        %dma_start3A_26 = tpu.memref_slice %arg6[%add3A_15, %dma_start3A_25] : memref<50176x512xf32, #tpu.memory_space<hbm>> -> memref<8x512xf32, #tpu.memory_space<hbm>>
        tpu.enqueue_dma source(%arg10 : memref<8x512xf32, #tpu.memory_space<vmem>>) target(%dma_start3A_26 : memref<8x512xf32, #tpu.memory_space<hbm>>) target_semaphore(%run_scoped3A : memref<!tpu.dma_semaphore, #tpu.memory_space<semaphore_mem>>)
        %dma_wait3A_27 = arith.constant 0 : i32
        %dma_wait3A_28 = tpu.memref_slice %arg6[%add3A_15, %dma_wait3A_27] : memref<50176x512xf32, #tpu.memory_space<hbm>> -> memref<8x512xf32, #tpu.memory_space<hbm>>
        %dma_wait3A_29 = arith.constant 0 : i32
        %dma_wait3A_30 = tpu.memref_slice %arg6[%add3A_15, %dma_wait3A_29] : memref<50176x512xf32, #tpu.memory_space<hbm>> -> memref<8x512xf32, #tpu.memory_space<hbm>>
        tpu.wait_dma2 semaphore(%run_scoped3A : memref<!tpu.dma_semaphore, #tpu.memory_space<semaphore_mem>>) src(%arg10 : memref<8x512xf32, #tpu.memory_space<vmem>>) dst(%dma_wait3A_30 : memref<8x512xf32, #tpu.memory_space<hbm>>)
        tpu.yield
      }) : () -> ()
      %scan3A_22 = arith.constant 0 : i32
      scf.yield %scan3A_22 : i32
    }
    %scan3A_10 = arith.constant 196 : i32
    return
  }
}

module attributes {stable_mosaic.version = 14 : i64} {
  func.func @_dense_body(%arg0: i32, %arg1: memref<1000x1024xf32, #tpu.memory_space<vmem>>, %arg2: memref<1024x512xbf16, #tpu.memory_space<vmem>>, %arg3: memref<1x512xf32, #tpu.memory_space<vmem>>, %arg4: memref<512x128xbf16, #tpu.memory_space<vmem>>, %arg5: memref<1x128xf32, #tpu.memory_space<vmem>>, %arg6: memref<128x128xbf16, #tpu.memory_space<vmem>>, %arg7: memref<1x1xf32, #tpu.memory_space<vmem>>, %arg8: memref<1000x512xf32, #tpu.memory_space<vmem>>, %arg9: memref<1000x1xf32, #tpu.memory_space<vmem>>) attributes {dimension_semantics = [#tpu.dimension_semantics<arbitrary>], iteration_bounds = array<i64: 50>, scalar_prefetch = 0 : i64, scratch_operands = 0 : i64, tpu.core_type = #tpu.core_type<tc>, window_params = [{transform_indices = @transform_0, window_bounds = array<i64: 1000, 1024>}, {pipeline_mode = #tpu.pipeline_mode<synchronous>, transform_indices = @transform_1, window_bounds = array<i64: 1024, 512>}, {pipeline_mode = #tpu.pipeline_mode<synchronous>, transform_indices = @transform_2, window_bounds = array<i64: 1, 512>}, {pipeline_mode = #tpu.pipeline_mode<synchronous>, transform_indices = @transform_3, window_bounds = array<i64: 512, 128>}, {pipeline_mode = #tpu.pipeline_mode<synchronous>, transform_indices = @transform_4, window_bounds = array<i64: 1, 128>}, {pipeline_mode = #tpu.pipeline_mode<synchronous>, transform_indices = @transform_5, window_bounds = array<i64: 128, 128>}, {pipeline_mode = #tpu.pipeline_mode<synchronous>, transform_indices = @transform_6, window_bounds = array<i64: 1, 1>}, {transform_indices = @transform_7, window_bounds = array<i64: 1000, 512>}, {transform_indices = @transform_8, window_bounds = array<i64: 1000, 1>}]} {
    %get3A = arith.constant 0 : index
    %get3A_0 = arith.constant 0 : index
    %get3A_1 = vector.load %arg1[%get3A, %get3A_0] : memref<1000x1024xf32, #tpu.memory_space<vmem>>, vector<1000x1024xf32>
    %convert_element_type3A = arith.truncf %get3A_1 : vector<1000x1024xf32> to vector<1000x1024xbf16>
    %get3A_2 = arith.constant 0 : index
    %get3A_3 = arith.constant 0 : index
    %get3A_4 = vector.load %arg2[%get3A_2, %get3A_3] : memref<1024x512xbf16, #tpu.memory_space<vmem>>, vector<1024x512xbf16>
    %dot_general3A = arith.constant dense<0.000000e+00> : vector<1000x512xf32>
    %dot_general3A_5 = tpu.matmul %convert_element_type3A, %get3A_4, %dot_general3A {dimension_numbers = #tpu.dot_dimension_numbers<[1], [0], [0], [1], [0, 0, 1, 1], [], []>, transpose_lhs_hint = false} : vector<1000x1024xbf16>, vector<1024x512xbf16>, vector<1000x512xf32> -> vector<1000x512xf32>
    %get3A_6 = arith.constant 0 : index
    %get3A_7 = arith.constant 0 : index
    %get3A_8 = vector.load %arg3[%get3A_6, %get3A_7] : memref<1x512xf32, #tpu.memory_space<vmem>>, vector<1x512xf32>
    %add3A = vector.broadcast %get3A_8 : vector<1x512xf32> to vector<1000x512xf32>
    %add3A_9 = arith.addf %dot_general3A_5, %add3A : vector<1000x512xf32>
    %max3A = arith.constant 0.000000e+00 : f32
    %max3A_10 = vector.broadcast %max3A : f32 to vector<1000x512xf32>
    %max3A_11 = arith.maximumf %add3A_9, %max3A_10 : vector<1000x512xf32>
    %convert_element_type3A_12 = arith.truncf %max3A_11 : vector<1000x512xf32> to vector<1000x512xbf16>
    %get3A_13 = arith.constant 0 : index
    %get3A_14 = arith.constant 0 : index
    %get3A_15 = vector.load %arg4[%get3A_13, %get3A_14] : memref<512x128xbf16, #tpu.memory_space<vmem>>, vector<512x128xbf16>
    %dot_general3A_16 = arith.constant dense<0.000000e+00> : vector<1000x128xf32>
    %dot_general3A_17 = tpu.matmul %convert_element_type3A_12, %get3A_15, %dot_general3A_16 {dimension_numbers = #tpu.dot_dimension_numbers<[1], [0], [0], [1], [0, 0, 1, 1], [], []>, transpose_lhs_hint = false} : vector<1000x512xbf16>, vector<512x128xbf16>, vector<1000x128xf32> -> vector<1000x128xf32>
    %get3A_18 = arith.constant 0 : index
    %get3A_19 = arith.constant 0 : index
    %get3A_20 = vector.load %arg5[%get3A_18, %get3A_19] : memref<1x128xf32, #tpu.memory_space<vmem>>, vector<1x128xf32>
    %add3A_21 = vector.broadcast %get3A_20 : vector<1x128xf32> to vector<1000x128xf32>
    %add3A_22 = arith.addf %dot_general3A_17, %add3A_21 : vector<1000x128xf32>
    %tanh3A = math.tanh %add3A_22 : vector<1000x128xf32>
    %convert_element_type3A_23 = arith.truncf %tanh3A : vector<1000x128xf32> to vector<1000x128xbf16>
    %get3A_24 = arith.constant 0 : index
    %get3A_25 = arith.constant 0 : index
    %get3A_26 = vector.load %arg6[%get3A_24, %get3A_25] : memref<128x128xbf16, #tpu.memory_space<vmem>>, vector<128x128xbf16>
    %dot_general3A_27 = arith.constant dense<0.000000e+00> : vector<1000x128xf32>
    %dot_general3A_28 = tpu.matmul %convert_element_type3A_23, %get3A_26, %dot_general3A_27 {dimension_numbers = #tpu.dot_dimension_numbers<[1], [0], [0], [1], [0, 0, 1, 1], [], []>, transpose_lhs_hint = false} : vector<1000x128xbf16>, vector<128x128xbf16>, vector<1000x128xf32> -> vector<1000x128xf32>
    %slice3A = vector.extract_strided_slice %dot_general3A_28 {offsets = [0, 0], sizes = [1000, 1], strides = [1, 1]} : vector<1000x128xf32> to vector<1000x1xf32>
    %get3A_29 = arith.constant 0 : index
    %get3A_30 = arith.constant 0 : index
    %get3A_31 = vector.load %arg7[%get3A_29, %get3A_30] : memref<1x1xf32, #tpu.memory_space<vmem>>, vector<1x1xf32>
    %add3A_32 = vector.broadcast %get3A_31 : vector<1x1xf32> to vector<1000x1xf32>
    %add3A_33 = arith.addf %slice3A, %add3A_32 : vector<1000x1xf32>
    %swap3A = arith.constant 0 : index
    %swap3A_34 = arith.constant 0 : index
    %swap3A_35 = vector.load %arg8[%swap3A, %swap3A_34] : memref<1000x512xf32, #tpu.memory_space<vmem>>, vector<1000x512xf32>
    tpu.vector_store %arg8[%swap3A, %swap3A_34], %max3A_11 {strides = array<i32>} : memref<1000x512xf32, #tpu.memory_space<vmem>>, vector<1000x512xf32>,
    %swap3A_36 = arith.constant 0 : index
    %swap3A_37 = arith.constant 0 : index
    %swap3A_38 = vector.load %arg9[%swap3A_36, %swap3A_37] : memref<1000x1xf32, #tpu.memory_space<vmem>>, vector<1000x1xf32>
    tpu.vector_store %arg9[%swap3A_36, %swap3A_37], %add3A_33 {strides = array<i32>} : memref<1000x1xf32, #tpu.memory_space<vmem>>, vector<1000x1xf32>,
    return
  }
  func.func @transform_0(%arg0: i32) -> (i32, i32) {
    %c0_i32 = arith.constant 0 : i32
    %c0_i32_0 = arith.constant 0 : i32
    return %arg0, %c0_i32 : i32, i32
  }
  func.func @transform_1(%arg0: i32) -> (i32, i32) {
    %c0_i32 = arith.constant 0 : i32
    %c0_i32_0 = arith.constant 0 : i32
    %c0_i32_1 = arith.constant 0 : i32
    return %c0_i32, %c0_i32_0 : i32, i32
  }
  func.func @transform_2(%arg0: i32) -> (i32, i32) {
    %c0_i32 = arith.constant 0 : i32
    %c0_i32_0 = arith.constant 0 : i32
    %c0_i32_1 = arith.constant 0 : i32
    return %c0_i32, %c0_i32_0 : i32, i32
  }
  func.func @transform_3(%arg0: i32) -> (i32, i32) {
    %c0_i32 = arith.constant 0 : i32
    %c0_i32_0 = arith.constant 0 : i32
    %c0_i32_1 = arith.constant 0 : i32
    return %c0_i32, %c0_i32_0 : i32, i32
  }
  func.func @transform_4(%arg0: i32) -> (i32, i32) {
    %c0_i32 = arith.constant 0 : i32
    %c0_i32_0 = arith.constant 0 : i32
    %c0_i32_1 = arith.constant 0 : i32
    return %c0_i32, %c0_i32_0 : i32, i32
  }
  func.func @transform_5(%arg0: i32) -> (i32, i32) {
    %c0_i32 = arith.constant 0 : i32
    %c0_i32_0 = arith.constant 0 : i32
    %c0_i32_1 = arith.constant 0 : i32
    return %c0_i32, %c0_i32_0 : i32, i32
  }
  func.func @transform_6(%arg0: i32) -> (i32, i32) {
    %c0_i32 = arith.constant 0 : i32
    %c0_i32_0 = arith.constant 0 : i32
    %c0_i32_1 = arith.constant 0 : i32
    return %c0_i32, %c0_i32_0 : i32, i32
  }
  func.func @transform_7(%arg0: i32) -> (i32, i32) {
    %c0_i32 = arith.constant 0 : i32
    %c0_i32_0 = arith.constant 0 : i32
    return %arg0, %c0_i32 : i32, i32
  }
  func.func @transform_8(%arg0: i32) -> (i32, i32) {
    %c0_i32 = arith.constant 0 : i32
    %c0_i32_0 = arith.constant 0 : i32
    return %arg0, %c0_i32 : i32, i32
  }
}

module attributes {stable_mosaic.version = 14 : i64} {
  func.func @body(%arg0: i32, %arg1: i32, %arg2: memref<1x49x128xf32, #tpu.memory_space<vmem>>, %arg3: memref<1x896x1xf32, #tpu.memory_space<vmem>>, %arg4: memref<1x896x512xf32, #tpu.memory_space<vmem>>, %arg5: memref<512x2xbf16, #tpu.memory_space<vmem>>, %arg6: memref<1x896x1xf32, #tpu.memory_space<vmem>>, %arg7: memref<1x1x512xf32, #tpu.memory_space<vmem>>) attributes {dimension_semantics = [#tpu.dimension_semantics<arbitrary>, #tpu.dimension_semantics<arbitrary>], iteration_bounds = array<i64: 8, 7>, scalar_prefetch = 0 : i64, scratch_operands = 0 : i64, tpu.core_type = #tpu.core_type<tc>, window_params = [{transform_indices = @transform_0, window_bounds = array<i64: 1, 49, 128>}, {transform_indices = @transform_1, window_bounds = array<i64: 1, 896, 1>}, {transform_indices = @transform_2, window_bounds = array<i64: 1, 896, 512>}, {pipeline_mode = #tpu.pipeline_mode<synchronous>, transform_indices = @transform_3, window_bounds = array<i64: 512, 2>}, {transform_indices = @transform_4, window_bounds = array<i64: 1, 896, 1>}, {transform_indices = @transform_5, window_bounds = array<i64: 1, 1, 512>}]} {
    %get3A = arith.constant 0 : index
    %get3A_0 = arith.constant 0 : index
    %get3A_1 = arith.constant 0 : index
    %get3A_2 = vector.load %arg2[%get3A, %get3A_0, %get3A_1] : memref<1x49x128xf32, #tpu.memory_space<vmem>>, vector<1x49x128xf32>
    %get3A_3 = vector.shape_cast %get3A_2 : vector<1x49x128xf32> to vector<49x128xf32>
    %iota3A = tpu.iota {dimensions = array<i32: 0>} : vector<49x128xi32>
    %mul3A = arith.constant 128 : i32
    %mul3A_4 = vector.broadcast %mul3A : i32 to vector<49x128xi32>
    %mul3A_5 = arith.muli %iota3A, %mul3A_4 : vector<49x128xi32>
    %iota3A_6 = tpu.iota {dimensions = array<i32: 1>} : vector<49x128xi32>
    %add3A = arith.addi %mul3A_5, %iota3A_6 : vector<49x128xi32>
    %lt3A = arith.constant 6250 : i32
    %lt3A_7 = vector.broadcast %lt3A : i32 to vector<49x128xi32>
    %lt3A_8 = arith.cmpi slt, %add3A, %lt3A_7 : vector<49x128xi32>
    %jit3A = arith.constant 0xFF800000 : f32
    %broadcast_in_dim3A = vector.broadcast %jit3A : f32 to vector<49x128xf32>
    %select_n3A = arith.select %lt3A_8, %get3A_3, %broadcast_in_dim3A : vector<49x128xi1>, vector<49x128xf32>
    %reduce_max3A = vector.shape_cast %select_n3A : vector<49x128xf32> to vector<1x49x128xf32>
    %reduce_max3A_9 = arith.constant dense<0xFF800000> : vector<1xf32>
    %reduce_max3A_10 = vector.multi_reduction <maximumf>, %reduce_max3A, %reduce_max3A_9 [1, 2] : vector<1x49x128xf32> to vector<1xf32>
    %reduce_max3A_11 = vector.shape_cast %reduce_max3A_10 : vector<1xf32> to vector<1x1x1xf32>
    %reduce_max3A_12 = vector.extract %reduce_max3A_11[0, 0, 0] : f32 from vector<1x1x1xf32>
    %sub3A = vector.broadcast %reduce_max3A_12 : f32 to vector<49x128xf32>
    %sub3A_13 = arith.subf %get3A_3, %sub3A : vector<49x128xf32>
    %exp3A = math.exp %sub3A_13 : vector<49x128xf32>
    %jit3A_14 = arith.constant 0.000000e+00 : f32
    %broadcast_in_dim3A_15 = vector.broadcast %jit3A_14 : f32 to vector<49x128xf32>
    %select_n3A_16 = arith.select %lt3A_8, %exp3A, %broadcast_in_dim3A_15 : vector<49x128xi1>, vector<49x128xf32>
    %reduce_sum3A = vector.shape_cast %select_n3A_16 : vector<49x128xf32> to vector<1x49x128xf32>
    %reduce_sum3A_17 = arith.constant dense<0.000000e+00> : vector<1xf32>
    %reduce_sum3A_18 = vector.multi_reduction <add>, %reduce_sum3A, %reduce_sum3A_17 [1, 2] : vector<1x49x128xf32> to vector<1xf32>
    %reduce_sum3A_19 = vector.shape_cast %reduce_sum3A_18 : vector<1xf32> to vector<1x1x1xf32>
    %reduce_sum3A_20 = vector.extract %reduce_sum3A_19[0, 0, 0] : f32 from vector<1x1x1xf32>
    %get3A_21 = arith.constant 0 : index
    %get3A_22 = arith.constant 0 : index
    %get3A_23 = arith.constant 0 : index
    %get3A_24 = vector.load %arg3[%get3A_21, %get3A_22, %get3A_23] : memref<1x896x1xf32, #tpu.memory_space<vmem>>, vector<1x896x1xf32>
    %get3A_25 = vector.shape_cast %get3A_24 : vector<1x896x1xf32> to vector<896x1xf32>
    %mul3A_26 = arith.constant 896 : i32
    %mul3A_27 = arith.muli %arg1, %mul3A_26 : i32
    %iota3A_28 = tpu.iota {dimensions = array<i32: 0>} : vector<896x1xi32>
    %add3A_29 = vector.broadcast %mul3A_27 : i32 to vector<896x1xi32>
    %add3A_30 = arith.addi %add3A_29, %iota3A_28 : vector<896x1xi32>
    %lt3A_31 = arith.constant 6250 : i32
    %lt3A_32 = vector.broadcast %lt3A_31 : i32 to vector<896x1xi32>
    %lt3A_33 = arith.cmpi slt, %add3A_30, %lt3A_32 : vector<896x1xi32>
    %sub3A_34 = vector.broadcast %reduce_max3A_12 : f32 to vector<896x1xf32>
    %sub3A_35 = arith.subf %get3A_25, %sub3A_34 : vector<896x1xf32>
    %exp3A_36 = math.exp %sub3A_35 : vector<896x1xf32>
    %div3A = vector.broadcast %reduce_sum3A_20 : f32 to vector<896x1xf32>
    %div3A_37 = arith.divf %exp3A_36, %div3A : vector<896x1xf32>
    %jit3A_38 = arith.constant 0.000000e+00 : f32
    %broadcast_in_dim3A_39 = vector.broadcast %jit3A_38 : f32 to vector<896x1xf32>
    %select_n3A_40 = arith.select %lt3A_33, %div3A_37, %broadcast_in_dim3A_39 : vector<896x1xi1>, vector<896x1xf32>
    %get3A_41 = arith.constant 0 : index
    %get3A_42 = arith.constant 0 : index
    %get3A_43 = arith.constant 0 : index
    %get3A_44 = vector.load %arg4[%get3A_41, %get3A_42, %get3A_43] : memref<1x896x512xf32, #tpu.memory_space<vmem>>, vector<1x896x512xf32>
    %get3A_45 = vector.shape_cast %get3A_44 : vector<1x896x512xf32> to vector<896x512xf32>
    %mul3A_46 = vector.broadcast %select_n3A_40 : vector<896x1xf32> to vector<896x512xf32>
    %mul3A_47 = arith.mulf %get3A_45, %mul3A_46 : vector<896x512xf32>
    %convert_element_type3A = arith.truncf %mul3A_47 : vector<896x512xf32> to vector<896x512xbf16>
    %get3A_48 = arith.constant 0 : index
    %get3A_49 = arith.constant 0 : index
    %get3A_50 = vector.load %arg5[%get3A_48, %get3A_49] : memref<512x2xbf16, #tpu.memory_space<vmem>>, vector<512x2xbf16>
    %dot_general3A = arith.constant dense<0.000000e+00> : vector<896x2xf32>
    %dot_general3A_51 = tpu.matmul %convert_element_type3A, %get3A_50, %dot_general3A {dimension_numbers = #tpu.dot_dimension_numbers<[1], [0], [0], [1], [0, 0, 1, 1], [], []>, transpose_lhs_hint = false} : vector<896x512xbf16>, vector<512x2xbf16>, vector<896x2xf32> -> vector<896x2xf32>
    %slice3A = vector.extract_strided_slice %dot_general3A_51 {offsets = [0, 0], sizes = [896, 1], strides = [1, 1]} : vector<896x2xf32> to vector<896x1xf32>
    %slice3A_52 = vector.extract_strided_slice %dot_general3A_51 {offsets = [0, 1], sizes = [896, 1], strides = [1, 1]} : vector<896x2xf32> to vector<896x1xf32>
    %max3A = arith.maximumf %slice3A, %slice3A_52 : vector<896x1xf32>
    %sub3A_53 = arith.subf %slice3A, %max3A : vector<896x1xf32>
    %exp3A_54 = math.exp %sub3A_53 : vector<896x1xf32>
    %sub3A_55 = arith.subf %slice3A_52, %max3A : vector<896x1xf32>
    %exp3A_56 = math.exp %sub3A_55 : vector<896x1xf32>
    %add3A_57 = arith.addf %exp3A_54, %exp3A_56 : vector<896x1xf32>
    %div3A_58 = arith.divf %exp3A_56, %add3A_57 : vector<896x1xf32>
    %swap3A = arith.constant 0 : index
    %swap3A_59 = arith.constant 0 : index
    %swap3A_60 = arith.constant 0 : index
    %swap3A_61 = vector.load %arg6[%swap3A, %swap3A_59, %swap3A_60] : memref<1x896x1xf32, #tpu.memory_space<vmem>>, vector<1x896x1xf32>
    %swap3A_62 = vector.shape_cast %swap3A_61 : vector<1x896x1xf32> to vector<896x1xf32>
    %swap3A_63 = vector.shape_cast %div3A_58 : vector<896x1xf32> to vector<1x896x1xf32>
    tpu.vector_store %arg6[%swap3A, %swap3A_59, %swap3A_60], %swap3A_63 {strides = array<i32>} : memref<1x896x1xf32, #tpu.memory_space<vmem>>, vector<1x896x1xf32>,
    %reduce_sum3A_64 = arith.constant dense<0.000000e+00> : vector<512xf32>
    %reduce_sum3A_65 = vector.multi_reduction <add>, %mul3A_47, %reduce_sum3A_64 [0] : vector<896x512xf32> to vector<512xf32>
    %broadcast_in_dim3A_66 = vector.shape_cast %reduce_sum3A_65 : vector<512xf32> to vector<1x512xf32>
    %eq3A = arith.constant 0 : i32
    %eq3A_67 = arith.cmpi eq, %arg1, %eq3A : i32
    %convert_element_type3A_68 = arith.extui %eq3A_67 : i1 to i32
    %cond3A = arith.constant 0 : i32
    %cond3A_69 = arith.cmpi ne, %convert_element_type3A_68, %cond3A : i32
    scf.if %cond3A_69 {
      %swap3A_74 = arith.constant 0 : index
      %swap3A_75 = arith.constant 0 : index
      %swap3A_76 = arith.constant 0 : index
      %swap3A_77 = vector.load %arg7[%swap3A_74, %swap3A_75, %swap3A_76] : memref<1x1x512xf32, #tpu.memory_space<vmem>>, vector<1x1x512xf32>
      %swap3A_78 = vector.shape_cast %swap3A_77 : vector<1x1x512xf32> to vector<1x512xf32>
      %swap3A_79 = vector.shape_cast %broadcast_in_dim3A_66 : vector<1x512xf32> to vector<1x1x512xf32>
      tpu.vector_store %arg7[%swap3A_74, %swap3A_75, %swap3A_76], %swap3A_79 {strides = array<i32>} : memref<1x1x512xf32, #tpu.memory_space<vmem>>, vector<1x1x512xf32>,
    } else {
    }
    %ne3A = arith.constant 0 : i32
    %ne3A_70 = arith.cmpi ne, %arg1, %ne3A : i32
    %convert_element_type3A_71 = arith.extui %ne3A_70 : i1 to i32
    %cond3A_72 = arith.constant 0 : i32
    %cond3A_73 = arith.cmpi ne, %convert_element_type3A_71, %cond3A_72 : i32
    scf.if %cond3A_73 {
      %get3A_74 = arith.constant 0 : index
      %get3A_75 = arith.constant 0 : index
      %get3A_76 = arith.constant 0 : index
      %get3A_77 = vector.load %arg7[%get3A_74, %get3A_75, %get3A_76] : memref<1x1x512xf32, #tpu.memory_space<vmem>>, vector<1x1x512xf32>
      %get3A_78 = vector.shape_cast %get3A_77 : vector<1x1x512xf32> to vector<1x512xf32>
      %add3A_79 = arith.addf %get3A_78, %broadcast_in_dim3A_66 : vector<1x512xf32>
      %swap3A_80 = arith.constant 0 : index
      %swap3A_81 = arith.constant 0 : index
      %swap3A_82 = arith.constant 0 : index
      %swap3A_83 = vector.load %arg7[%swap3A_80, %swap3A_81, %swap3A_82] : memref<1x1x512xf32, #tpu.memory_space<vmem>>, vector<1x1x512xf32>
      %swap3A_84 = vector.shape_cast %swap3A_83 : vector<1x1x512xf32> to vector<1x512xf32>
      %swap3A_85 = vector.shape_cast %add3A_79 : vector<1x512xf32> to vector<1x1x512xf32>
      tpu.vector_store %arg7[%swap3A_80, %swap3A_81, %swap3A_82], %swap3A_85 {strides = array<i32>} : memref<1x1x512xf32, #tpu.memory_space<vmem>>, vector<1x1x512xf32>,
    } else {
    }
    return
  }
  func.func @transform_0(%arg0: i32, %arg1: i32) -> (i32, i32, i32) {
    %c0_i32 = arith.constant 0 : i32
    %c0_i32_0 = arith.constant 0 : i32
    %c0_i32_1 = arith.constant 0 : i32
    return %arg0, %c0_i32, %c0_i32_0 : i32, i32, i32
  }
  func.func @transform_1(%arg0: i32, %arg1: i32) -> (i32, i32, i32) {
    %c0_i32 = arith.constant 0 : i32
    %c0_i32_0 = arith.constant 0 : i32
    return %arg0, %arg1, %c0_i32 : i32, i32, i32
  }
  func.func @transform_2(%arg0: i32, %arg1: i32) -> (i32, i32, i32) {
    %c0_i32 = arith.constant 0 : i32
    %c0_i32_0 = arith.constant 0 : i32
    return %arg0, %arg1, %c0_i32 : i32, i32, i32
  }
  func.func @transform_3(%arg0: i32, %arg1: i32) -> (i32, i32) {
    %c0_i32 = arith.constant 0 : i32
    %c0_i32_0 = arith.constant 0 : i32
    %c0_i32_1 = arith.constant 0 : i32
    return %c0_i32, %c0_i32_0 : i32, i32
  }
  func.func @transform_4(%arg0: i32, %arg1: i32) -> (i32, i32, i32) {
    %c0_i32 = arith.constant 0 : i32
    %c0_i32_0 = arith.constant 0 : i32
    return %arg0, %arg1, %c0_i32 : i32, i32, i32
  }
  func.func @transform_5(%arg0: i32, %arg1: i32) -> (i32, i32, i32) {
    %c0_i32 = arith.constant 0 : i32
    %c0_i32_0 = arith.constant 0 : i32
    %c0_i32_1 = arith.constant 0 : i32
    return %arg0, %c0_i32, %c0_i32_0 : i32, i32, i32
  }
}

module attributes {stable_mosaic.version = 14 : i64} {
  func.func @body(%arg0: i32, %arg1: memref<1x49x128xf32, #tpu.memory_space<vmem>>, %arg2: memref<1x1x512xf32, #tpu.memory_space<vmem>>, %arg3: memref<50176x512xf32, #tpu.memory_space<any>>, %arg4: memref<512x2xbf16, #tpu.memory_space<vmem>>, %arg5: memref<1x2xf32, #tpu.memory_space<vmem>>, %arg6: memref<1x1x2xf32, #tpu.memory_space<vmem>>, %arg7: memref<1x16x512xf32, #tpu.memory_space<vmem>>, %arg8: memref<16x512xf32, #tpu.memory_space<vmem>>, %arg9: memref<!tpu.dma_semaphore, #tpu.memory_space<semaphore_mem>>) attributes {dimension_semantics = [#tpu.dimension_semantics<arbitrary>], iteration_bounds = array<i64: 8>, scalar_prefetch = 0 : i64, scratch_operands = 2 : i64, tpu.core_type = #tpu.core_type<tc>, window_params = [{transform_indices = @transform_0, window_bounds = array<i64: 1, 49, 128>}, {transform_indices = @transform_1, window_bounds = array<i64: 1, 1, 512>}, {}, {pipeline_mode = #tpu.pipeline_mode<synchronous>, transform_indices = @transform_3, window_bounds = array<i64: 512, 2>}, {pipeline_mode = #tpu.pipeline_mode<synchronous>, transform_indices = @transform_4, window_bounds = array<i64: 1, 2>}, {transform_indices = @transform_5, window_bounds = array<i64: 1, 1, 2>}, {transform_indices = @transform_6, window_bounds = array<i64: 1, 16, 512>}]} {
    %get3A = arith.constant 0 : index
    %get3A_0 = arith.constant 0 : index
    %get3A_1 = arith.constant 0 : index
    %get3A_2 = vector.load %arg1[%get3A, %get3A_0, %get3A_1] : memref<1x49x128xf32, #tpu.memory_space<vmem>>, vector<1x49x128xf32>
    %get3A_3 = vector.shape_cast %get3A_2 : vector<1x49x128xf32> to vector<49x128xf32>
    %iota3A = tpu.iota {dimensions = array<i32: 0>} : vector<49x128xi32>
    %mul3A = arith.constant 128 : i32
    %mul3A_4 = vector.broadcast %mul3A : i32 to vector<49x128xi32>
    %mul3A_5 = arith.muli %iota3A, %mul3A_4 : vector<49x128xi32>
    %iota3A_6 = tpu.iota {dimensions = array<i32: 1>} : vector<49x128xi32>
    %add3A = arith.addi %mul3A_5, %iota3A_6 : vector<49x128xi32>
    %lt3A = arith.constant 6250 : i32
    %lt3A_7 = vector.broadcast %lt3A : i32 to vector<49x128xi32>
    %lt3A_8 = arith.cmpi slt, %add3A, %lt3A_7 : vector<49x128xi32>
    %jit3A = arith.constant 0xFF800000 : f32
    %broadcast_in_dim3A = vector.broadcast %jit3A : f32 to vector<49x128xf32>
    %select_n3A = arith.select %lt3A_8, %get3A_3, %broadcast_in_dim3A : vector<49x128xi1>, vector<49x128xf32>
    %jit3A_9 = arith.constant 0x7F800000 : f32
    %broadcast_in_dim3A_10 = vector.broadcast %jit3A_9 : f32 to vector<49x128xf32>
    %select_n3A_11 = arith.select %lt3A_8, %get3A_3, %broadcast_in_dim3A_10 : vector<49x128xi1>, vector<49x128xf32>
    %reduce_max3A = vector.shape_cast %select_n3A : vector<49x128xf32> to vector<1x49x128xf32>
    %reduce_max3A_12 = arith.constant dense<0xFF800000> : vector<1xf32>
    %reduce_max3A_13 = vector.multi_reduction <maximumf>, %reduce_max3A, %reduce_max3A_12 [1, 2] : vector<1x49x128xf32> to vector<1xf32>
    %reduce_max3A_14 = vector.shape_cast %reduce_max3A_13 : vector<1xf32> to vector<1x1x1xf32>
    %reduce_max3A_15 = vector.extract %reduce_max3A_14[0, 0, 0] : f32 from vector<1x1x1xf32>
    %eq3A = vector.broadcast %reduce_max3A_15 : f32 to vector<49x128xf32>
    %eq3A_16 = arith.cmpf oeq, %select_n3A, %eq3A : vector<49x128xf32>
    %jit3A_17 = arith.constant 6272 : i32
    %broadcast_in_dim3A_18 = vector.broadcast %jit3A_17 : i32 to vector<49x128xi32>
    %select_n3A_19 = arith.select %eq3A_16, %add3A, %broadcast_in_dim3A_18 : vector<49x128xi1>, vector<49x128xi32>
    %reduce_min3A = vector.shape_cast %select_n3A_19 : vector<49x128xi32> to vector<1x49x128xi32>
    %reduce_min3A_20 = arith.constant dense<2147483647> : vector<1xi32>
    %reduce_min3A_21 = vector.multi_reduction <minsi>, %reduce_min3A, %reduce_min3A_20 [1, 2] : vector<1x49x128xi32> to vector<1xi32>
    %reduce_min3A_22 = vector.shape_cast %reduce_min3A_21 : vector<1xi32> to vector<1x1x1xi32>
    %reduce_min3A_23 = vector.extract %reduce_min3A_22[0, 0, 0] : i32 from vector<1x1x1xi32>
    %eq3A_24 = vector.broadcast %reduce_min3A_23 : i32 to vector<49x128xi32>
    %eq3A_25 = arith.cmpi eq, %add3A, %eq3A_24 : vector<49x128xi32>
    %jit3A_26 = arith.constant 0xFF800000 : f32
    %broadcast_in_dim3A_27 = vector.broadcast %jit3A_26 : f32 to vector<49x128xf32>
    %select_n3A_28 = arith.select %eq3A_25, %broadcast_in_dim3A_27, %select_n3A : vector<49x128xi1>, vector<49x128xf32>
    %reduce_max3A_29 = vector.shape_cast %select_n3A_28 : vector<49x128xf32> to vector<1x49x128xf32>
    %reduce_max3A_30 = arith.constant dense<0xFF800000> : vector<1xf32>
    %reduce_max3A_31 = vector.multi_reduction <maximumf>, %reduce_max3A_29, %reduce_max3A_30 [1, 2] : vector<1x49x128xf32> to vector<1xf32>
    %reduce_max3A_32 = vector.shape_cast %reduce_max3A_31 : vector<1xf32> to vector<1x1x1xf32>
    %reduce_max3A_33 = vector.extract %reduce_max3A_32[0, 0, 0] : f32 from vector<1x1x1xf32>
    %eq3A_34 = vector.broadcast %reduce_max3A_33 : f32 to vector<49x128xf32>
    %eq3A_35 = arith.cmpf oeq, %select_n3A_28, %eq3A_34 : vector<49x128xf32>
    %jit3A_36 = arith.constant 6272 : i32
    %broadcast_in_dim3A_37 = vector.broadcast %jit3A_36 : i32 to vector<49x128xi32>
    %select_n3A_38 = arith.select %eq3A_35, %add3A, %broadcast_in_dim3A_37 : vector<49x128xi1>, vector<49x128xi32>
    %reduce_min3A_39 = vector.shape_cast %select_n3A_38 : vector<49x128xi32> to vector<1x49x128xi32>
    %reduce_min3A_40 = arith.constant dense<2147483647> : vector<1xi32>
    %reduce_min3A_41 = vector.multi_reduction <minsi>, %reduce_min3A_39, %reduce_min3A_40 [1, 2] : vector<1x49x128xi32> to vector<1xi32>
    %reduce_min3A_42 = vector.shape_cast %reduce_min3A_41 : vector<1xi32> to vector<1x1x1xi32>
    %reduce_min3A_43 = vector.extract %reduce_min3A_42[0, 0, 0] : i32 from vector<1x1x1xi32>
    %eq3A_44 = vector.broadcast %reduce_min3A_43 : i32 to vector<49x128xi32>
    %eq3A_45 = arith.cmpi eq, %add3A, %eq3A_44 : vector<49x128xi32>
    %jit3A_46 = arith.constant 0xFF800000 : f32
    %broadcast_in_dim3A_47 = vector.broadcast %jit3A_46 : f32 to vector<49x128xf32>
    %select_n3A_48 = arith.select %eq3A_45, %broadcast_in_dim3A_47, %select_n3A_28 : vector<49x128xi1>, vector<49x128xf32>
    %reduce_max3A_49 = vector.shape_cast %select_n3A_48 : vector<49x128xf32> to vector<1x49x128xf32>
    %reduce_max3A_50 = arith.constant dense<0xFF800000> : vector<1xf32>
    %reduce_max3A_51 = vector.multi_reduction <maximumf>, %reduce_max3A_49, %reduce_max3A_50 [1, 2] : vector<1x49x128xf32> to vector<1xf32>
    %reduce_max3A_52 = vector.shape_cast %reduce_max3A_51 : vector<1xf32> to vector<1x1x1xf32>
    %reduce_max3A_53 = vector.extract %reduce_max3A_52[0, 0, 0] : f32 from vector<1x1x1xf32>
    %eq3A_54 = vector.broadcast %reduce_max3A_53 : f32 to vector<49x128xf32>
    %eq3A_55 = arith.cmpf oeq, %select_n3A_48, %eq3A_54 : vector<49x128xf32>
    %jit3A_56 = arith.constant 6272 : i32
    %broadcast_in_dim3A_57 = vector.broadcast %jit3A_56 : i32 to vector<49x128xi32>
    %select_n3A_58 = arith.select %eq3A_55, %add3A, %broadcast_in_dim3A_57 : vector<49x128xi1>, vector<49x128xi32>
    %reduce_min3A_59 = vector.shape_cast %select_n3A_58 : vector<49x128xi32> to vector<1x49x128xi32>
    %reduce_min3A_60 = arith.constant dense<2147483647> : vector<1xi32>
    %reduce_min3A_61 = vector.multi_reduction <minsi>, %reduce_min3A_59, %reduce_min3A_60 [1, 2] : vector<1x49x128xi32> to vector<1xi32>
    %reduce_min3A_62 = vector.shape_cast %reduce_min3A_61 : vector<1xi32> to vector<1x1x1xi32>
    %reduce_min3A_63 = vector.extract %reduce_min3A_62[0, 0, 0] : i32 from vector<1x1x1xi32>
    %eq3A_64 = vector.broadcast %reduce_min3A_63 : i32 to vector<49x128xi32>
    %eq3A_65 = arith.cmpi eq, %add3A, %eq3A_64 : vector<49x128xi32>
    %jit3A_66 = arith.constant 0xFF800000 : f32
    %broadcast_in_dim3A_67 = vector.broadcast %jit3A_66 : f32 to vector<49x128xf32>
    %select_n3A_68 = arith.select %eq3A_65, %broadcast_in_dim3A_67, %select_n3A_48 : vector<49x128xi1>, vector<49x128xf32>
    %reduce_max3A_69 = vector.shape_cast %select_n3A_68 : vector<49x128xf32> to vector<1x49x128xf32>
    %reduce_max3A_70 = arith.constant dense<0xFF800000> : vector<1xf32>
    %reduce_max3A_71 = vector.multi_reduction <maximumf>, %reduce_max3A_69, %reduce_max3A_70 [1, 2] : vector<1x49x128xf32> to vector<1xf32>
    %reduce_max3A_72 = vector.shape_cast %reduce_max3A_71 : vector<1xf32> to vector<1x1x1xf32>
    %reduce_max3A_73 = vector.extract %reduce_max3A_72[0, 0, 0] : f32 from vector<1x1x1xf32>
    %eq3A_74 = vector.broadcast %reduce_max3A_73 : f32 to vector<49x128xf32>
    %eq3A_75 = arith.cmpf oeq, %select_n3A_68, %eq3A_74 : vector<49x128xf32>
    %jit3A_76 = arith.constant 6272 : i32
    %broadcast_in_dim3A_77 = vector.broadcast %jit3A_76 : i32 to vector<49x128xi32>
    %select_n3A_78 = arith.select %eq3A_75, %add3A, %broadcast_in_dim3A_77 : vector<49x128xi1>, vector<49x128xi32>
    %reduce_min3A_79 = vector.shape_cast %select_n3A_78 : vector<49x128xi32> to vector<1x49x128xi32>
    %reduce_min3A_80 = arith.constant dense<2147483647> : vector<1xi32>
    %reduce_min3A_81 = vector.multi_reduction <minsi>, %reduce_min3A_79, %reduce_min3A_80 [1, 2] : vector<1x49x128xi32> to vector<1xi32>
    %reduce_min3A_82 = vector.shape_cast %reduce_min3A_81 : vector<1xi32> to vector<1x1x1xi32>
    %reduce_min3A_83 = vector.extract %reduce_min3A_82[0, 0, 0] : i32 from vector<1x1x1xi32>
    %eq3A_84 = vector.broadcast %reduce_min3A_83 : i32 to vector<49x128xi32>
    %eq3A_85 = arith.cmpi eq, %add3A, %eq3A_84 : vector<49x128xi32>
    %jit3A_86 = arith.constant 0xFF800000 : f32
    %broadcast_in_dim3A_87 = vector.broadcast %jit3A_86 : f32 to vector<49x128xf32>
    %select_n3A_88 = arith.select %eq3A_85, %broadcast_in_dim3A_87, %select_n3A_68 : vector<49x128xi1>, vector<49x128xf32>
    %reduce_max3A_89 = vector.shape_cast %select_n3A_88 : vector<49x128xf32> to vector<1x49x128xf32>
    %reduce_max3A_90 = arith.constant dense<0xFF800000> : vector<1xf32>
    %reduce_max3A_91 = vector.multi_reduction <maximumf>, %reduce_max3A_89, %reduce_max3A_90 [1, 2] : vector<1x49x128xf32> to vector<1xf32>
    %reduce_max3A_92 = vector.shape_cast %reduce_max3A_91 : vector<1xf32> to vector<1x1x1xf32>
    %reduce_max3A_93 = vector.extract %reduce_max3A_92[0, 0, 0] : f32 from vector<1x1x1xf32>
    %eq3A_94 = vector.broadcast %reduce_max3A_93 : f32 to vector<49x128xf32>
    %eq3A_95 = arith.cmpf oeq, %select_n3A_88, %eq3A_94 : vector<49x128xf32>
    %jit3A_96 = arith.constant 6272 : i32
    %broadcast_in_dim3A_97 = vector.broadcast %jit3A_96 : i32 to vector<49x128xi32>
    %select_n3A_98 = arith.select %eq3A_95, %add3A, %broadcast_in_dim3A_97 : vector<49x128xi1>, vector<49x128xi32>
    %reduce_min3A_99 = vector.shape_cast %select_n3A_98 : vector<49x128xi32> to vector<1x49x128xi32>
    %reduce_min3A_100 = arith.constant dense<2147483647> : vector<1xi32>
    %reduce_min3A_101 = vector.multi_reduction <minsi>, %reduce_min3A_99, %reduce_min3A_100 [1, 2] : vector<1x49x128xi32> to vector<1xi32>
    %reduce_min3A_102 = vector.shape_cast %reduce_min3A_101 : vector<1xi32> to vector<1x1x1xi32>
    %reduce_min3A_103 = vector.extract %reduce_min3A_102[0, 0, 0] : i32 from vector<1x1x1xi32>
    %eq3A_104 = vector.broadcast %reduce_min3A_103 : i32 to vector<49x128xi32>
    %eq3A_105 = arith.cmpi eq, %add3A, %eq3A_104 : vector<49x128xi32>
    %jit3A_106 = arith.constant 0xFF800000 : f32
    %broadcast_in_dim3A_107 = vector.broadcast %jit3A_106 : f32 to vector<49x128xf32>
    %select_n3A_108 = arith.select %eq3A_105, %broadcast_in_dim3A_107, %select_n3A_88 : vector<49x128xi1>, vector<49x128xf32>
    %reduce_max3A_109 = vector.shape_cast %select_n3A_108 : vector<49x128xf32> to vector<1x49x128xf32>
    %reduce_max3A_110 = arith.constant dense<0xFF800000> : vector<1xf32>
    %reduce_max3A_111 = vector.multi_reduction <maximumf>, %reduce_max3A_109, %reduce_max3A_110 [1, 2] : vector<1x49x128xf32> to vector<1xf32>
    %reduce_max3A_112 = vector.shape_cast %reduce_max3A_111 : vector<1xf32> to vector<1x1x1xf32>
    %reduce_max3A_113 = vector.extract %reduce_max3A_112[0, 0, 0] : f32 from vector<1x1x1xf32>
    %eq3A_114 = vector.broadcast %reduce_max3A_113 : f32 to vector<49x128xf32>
    %eq3A_115 = arith.cmpf oeq, %select_n3A_108, %eq3A_114 : vector<49x128xf32>
    %jit3A_116 = arith.constant 6272 : i32
    %broadcast_in_dim3A_117 = vector.broadcast %jit3A_116 : i32 to vector<49x128xi32>
    %select_n3A_118 = arith.select %eq3A_115, %add3A, %broadcast_in_dim3A_117 : vector<49x128xi1>, vector<49x128xi32>
    %reduce_min3A_119 = vector.shape_cast %select_n3A_118 : vector<49x128xi32> to vector<1x49x128xi32>
    %reduce_min3A_120 = arith.constant dense<2147483647> : vector<1xi32>
    %reduce_min3A_121 = vector.multi_reduction <minsi>, %reduce_min3A_119, %reduce_min3A_120 [1, 2] : vector<1x49x128xi32> to vector<1xi32>
    %reduce_min3A_122 = vector.shape_cast %reduce_min3A_121 : vector<1xi32> to vector<1x1x1xi32>
    %reduce_min3A_123 = vector.extract %reduce_min3A_122[0, 0, 0] : i32 from vector<1x1x1xi32>
    %eq3A_124 = vector.broadcast %reduce_min3A_123 : i32 to vector<49x128xi32>
    %eq3A_125 = arith.cmpi eq, %add3A, %eq3A_124 : vector<49x128xi32>
    %jit3A_126 = arith.constant 0xFF800000 : f32
    %broadcast_in_dim3A_127 = vector.broadcast %jit3A_126 : f32 to vector<49x128xf32>
    %select_n3A_128 = arith.select %eq3A_125, %broadcast_in_dim3A_127, %select_n3A_108 : vector<49x128xi1>, vector<49x128xf32>
    %reduce_max3A_129 = vector.shape_cast %select_n3A_128 : vector<49x128xf32> to vector<1x49x128xf32>
    %reduce_max3A_130 = arith.constant dense<0xFF800000> : vector<1xf32>
    %reduce_max3A_131 = vector.multi_reduction <maximumf>, %reduce_max3A_129, %reduce_max3A_130 [1, 2] : vector<1x49x128xf32> to vector<1xf32>
    %reduce_max3A_132 = vector.shape_cast %reduce_max3A_131 : vector<1xf32> to vector<1x1x1xf32>
    %reduce_max3A_133 = vector.extract %reduce_max3A_132[0, 0, 0] : f32 from vector<1x1x1xf32>
    %eq3A_134 = vector.broadcast %reduce_max3A_133 : f32 to vector<49x128xf32>
    %eq3A_135 = arith.cmpf oeq, %select_n3A_128, %eq3A_134 : vector<49x128xf32>
    %jit3A_136 = arith.constant 6272 : i32
    %broadcast_in_dim3A_137 = vector.broadcast %jit3A_136 : i32 to vector<49x128xi32>
    %select_n3A_138 = arith.select %eq3A_135, %add3A, %broadcast_in_dim3A_137 : vector<49x128xi1>, vector<49x128xi32>
    %reduce_min3A_139 = vector.shape_cast %select_n3A_138 : vector<49x128xi32> to vector<1x49x128xi32>
    %reduce_min3A_140 = arith.constant dense<2147483647> : vector<1xi32>
    %reduce_min3A_141 = vector.multi_reduction <minsi>, %reduce_min3A_139, %reduce_min3A_140 [1, 2] : vector<1x49x128xi32> to vector<1xi32>
    %reduce_min3A_142 = vector.shape_cast %reduce_min3A_141 : vector<1xi32> to vector<1x1x1xi32>
    %reduce_min3A_143 = vector.extract %reduce_min3A_142[0, 0, 0] : i32 from vector<1x1x1xi32>
    %eq3A_144 = vector.broadcast %reduce_min3A_143 : i32 to vector<49x128xi32>
    %eq3A_145 = arith.cmpi eq, %add3A, %eq3A_144 : vector<49x128xi32>
    %jit3A_146 = arith.constant 0xFF800000 : f32
    %broadcast_in_dim3A_147 = vector.broadcast %jit3A_146 : f32 to vector<49x128xf32>
    %select_n3A_148 = arith.select %eq3A_145, %broadcast_in_dim3A_147, %select_n3A_128 : vector<49x128xi1>, vector<49x128xf32>
    %reduce_max3A_149 = vector.shape_cast %select_n3A_148 : vector<49x128xf32> to vector<1x49x128xf32>
    %reduce_max3A_150 = arith.constant dense<0xFF800000> : vector<1xf32>
    %reduce_max3A_151 = vector.multi_reduction <maximumf>, %reduce_max3A_149, %reduce_max3A_150 [1, 2] : vector<1x49x128xf32> to vector<1xf32>
    %reduce_max3A_152 = vector.shape_cast %reduce_max3A_151 : vector<1xf32> to vector<1x1x1xf32>
    %reduce_max3A_153 = vector.extract %reduce_max3A_152[0, 0, 0] : f32 from vector<1x1x1xf32>
    %eq3A_154 = vector.broadcast %reduce_max3A_153 : f32 to vector<49x128xf32>
    %eq3A_155 = arith.cmpf oeq, %select_n3A_148, %eq3A_154 : vector<49x128xf32>
    %jit3A_156 = arith.constant 6272 : i32
    %broadcast_in_dim3A_157 = vector.broadcast %jit3A_156 : i32 to vector<49x128xi32>
    %select_n3A_158 = arith.select %eq3A_155, %add3A, %broadcast_in_dim3A_157 : vector<49x128xi1>, vector<49x128xi32>
    %reduce_min3A_159 = vector.shape_cast %select_n3A_158 : vector<49x128xi32> to vector<1x49x128xi32>
    %reduce_min3A_160 = arith.constant dense<2147483647> : vector<1xi32>
    %reduce_min3A_161 = vector.multi_reduction <minsi>, %reduce_min3A_159, %reduce_min3A_160 [1, 2] : vector<1x49x128xi32> to vector<1xi32>
    %reduce_min3A_162 = vector.shape_cast %reduce_min3A_161 : vector<1xi32> to vector<1x1x1xi32>
    %reduce_min3A_163 = vector.extract %reduce_min3A_162[0, 0, 0] : i32 from vector<1x1x1xi32>
    %reduce_min3A_164 = vector.shape_cast %select_n3A_11 : vector<49x128xf32> to vector<1x49x128xf32>
    %reduce_min3A_165 = arith.constant dense<0x7F800000> : vector<1xf32>
    %reduce_min3A_166 = vector.multi_reduction <minimumf>, %reduce_min3A_164, %reduce_min3A_165 [1, 2] : vector<1x49x128xf32> to vector<1xf32>
    %reduce_min3A_167 = vector.shape_cast %reduce_min3A_166 : vector<1xf32> to vector<1x1x1xf32>
    %reduce_min3A_168 = vector.extract %reduce_min3A_167[0, 0, 0] : f32 from vector<1x1x1xf32>
    %eq3A_169 = vector.broadcast %reduce_min3A_168 : f32 to vector<49x128xf32>
    %eq3A_170 = arith.cmpf oeq, %select_n3A_11, %eq3A_169 : vector<49x128xf32>
    %jit3A_171 = arith.constant -1 : i32
    %broadcast_in_dim3A_172 = vector.broadcast %jit3A_171 : i32 to vector<49x128xi32>
    %select_n3A_173 = arith.select %eq3A_170, %add3A, %broadcast_in_dim3A_172 : vector<49x128xi1>, vector<49x128xi32>
    %reduce_max3A_174 = vector.shape_cast %select_n3A_173 : vector<49x128xi32> to vector<1x49x128xi32>
    %reduce_max3A_175 = arith.constant dense<-2147483648> : vector<1xi32>
    %reduce_max3A_176 = vector.multi_reduction <maxsi>, %reduce_max3A_174, %reduce_max3A_175 [1, 2] : vector<1x49x128xi32> to vector<1xi32>
    %reduce_max3A_177 = vector.shape_cast %reduce_max3A_176 : vector<1xi32> to vector<1x1x1xi32>
    %reduce_max3A_178 = vector.extract %reduce_max3A_177[0, 0, 0] : i32 from vector<1x1x1xi32>
    %eq3A_179 = vector.broadcast %reduce_max3A_178 : i32 to vector<49x128xi32>
    %eq3A_180 = arith.cmpi eq, %add3A, %eq3A_179 : vector<49x128xi32>
    %jit3A_181 = arith.constant 0x7F800000 : f32
    %broadcast_in_dim3A_182 = vector.broadcast %jit3A_181 : f32 to vector<49x128xf32>
    %select_n3A_183 = arith.select %eq3A_180, %broadcast_in_dim3A_182, %select_n3A_11 : vector<49x128xi1>, vector<49x128xf32>
    %reduce_min3A_184 = vector.shape_cast %select_n3A_183 : vector<49x128xf32> to vector<1x49x128xf32>
    %reduce_min3A_185 = arith.constant dense<0x7F800000> : vector<1xf32>
    %reduce_min3A_186 = vector.multi_reduction <minimumf>, %reduce_min3A_184, %reduce_min3A_185 [1, 2] : vector<1x49x128xf32> to vector<1xf32>
    %reduce_min3A_187 = vector.shape_cast %reduce_min3A_186 : vector<1xf32> to vector<1x1x1xf32>
    %reduce_min3A_188 = vector.extract %reduce_min3A_187[0, 0, 0] : f32 from vector<1x1x1xf32>
    %eq3A_189 = vector.broadcast %reduce_min3A_188 : f32 to vector<49x128xf32>
    %eq3A_190 = arith.cmpf oeq, %select_n3A_183, %eq3A_189 : vector<49x128xf32>
    %jit3A_191 = arith.constant -1 : i32
    %broadcast_in_dim3A_192 = vector.broadcast %jit3A_191 : i32 to vector<49x128xi32>
    %select_n3A_193 = arith.select %eq3A_190, %add3A, %broadcast_in_dim3A_192 : vector<49x128xi1>, vector<49x128xi32>
    %reduce_max3A_194 = vector.shape_cast %select_n3A_193 : vector<49x128xi32> to vector<1x49x128xi32>
    %reduce_max3A_195 = arith.constant dense<-2147483648> : vector<1xi32>
    %reduce_max3A_196 = vector.multi_reduction <maxsi>, %reduce_max3A_194, %reduce_max3A_195 [1, 2] : vector<1x49x128xi32> to vector<1xi32>
    %reduce_max3A_197 = vector.shape_cast %reduce_max3A_196 : vector<1xi32> to vector<1x1x1xi32>
    %reduce_max3A_198 = vector.extract %reduce_max3A_197[0, 0, 0] : i32 from vector<1x1x1xi32>
    %eq3A_199 = vector.broadcast %reduce_max3A_198 : i32 to vector<49x128xi32>
    %eq3A_200 = arith.cmpi eq, %add3A, %eq3A_199 : vector<49x128xi32>
    %jit3A_201 = arith.constant 0x7F800000 : f32
    %broadcast_in_dim3A_202 = vector.broadcast %jit3A_201 : f32 to vector<49x128xf32>
    %select_n3A_203 = arith.select %eq3A_200, %broadcast_in_dim3A_202, %select_n3A_183 : vector<49x128xi1>, vector<49x128xf32>
    %reduce_min3A_204 = vector.shape_cast %select_n3A_203 : vector<49x128xf32> to vector<1x49x128xf32>
    %reduce_min3A_205 = arith.constant dense<0x7F800000> : vector<1xf32>
    %reduce_min3A_206 = vector.multi_reduction <minimumf>, %reduce_min3A_204, %reduce_min3A_205 [1, 2] : vector<1x49x128xf32> to vector<1xf32>
    %reduce_min3A_207 = vector.shape_cast %reduce_min3A_206 : vector<1xf32> to vector<1x1x1xf32>
    %reduce_min3A_208 = vector.extract %reduce_min3A_207[0, 0, 0] : f32 from vector<1x1x1xf32>
    %eq3A_209 = vector.broadcast %reduce_min3A_208 : f32 to vector<49x128xf32>
    %eq3A_210 = arith.cmpf oeq, %select_n3A_203, %eq3A_209 : vector<49x128xf32>
    %jit3A_211 = arith.constant -1 : i32
    %broadcast_in_dim3A_212 = vector.broadcast %jit3A_211 : i32 to vector<49x128xi32>
    %select_n3A_213 = arith.select %eq3A_210, %add3A, %broadcast_in_dim3A_212 : vector<49x128xi1>, vector<49x128xi32>
    %reduce_max3A_214 = vector.shape_cast %select_n3A_213 : vector<49x128xi32> to vector<1x49x128xi32>
    %reduce_max3A_215 = arith.constant dense<-2147483648> : vector<1xi32>
    %reduce_max3A_216 = vector.multi_reduction <maxsi>, %reduce_max3A_214, %reduce_max3A_215 [1, 2] : vector<1x49x128xi32> to vector<1xi32>
    %reduce_max3A_217 = vector.shape_cast %reduce_max3A_216 : vector<1xi32> to vector<1x1x1xi32>
    %reduce_max3A_218 = vector.extract %reduce_max3A_217[0, 0, 0] : i32 from vector<1x1x1xi32>
    %eq3A_219 = vector.broadcast %reduce_max3A_218 : i32 to vector<49x128xi32>
    %eq3A_220 = arith.cmpi eq, %add3A, %eq3A_219 : vector<49x128xi32>
    %jit3A_221 = arith.constant 0x7F800000 : f32
    %broadcast_in_dim3A_222 = vector.broadcast %jit3A_221 : f32 to vector<49x128xf32>
    %select_n3A_223 = arith.select %eq3A_220, %broadcast_in_dim3A_222, %select_n3A_203 : vector<49x128xi1>, vector<49x128xf32>
    %reduce_min3A_224 = vector.shape_cast %select_n3A_223 : vector<49x128xf32> to vector<1x49x128xf32>
    %reduce_min3A_225 = arith.constant dense<0x7F800000> : vector<1xf32>
    %reduce_min3A_226 = vector.multi_reduction <minimumf>, %reduce_min3A_224, %reduce_min3A_225 [1, 2] : vector<1x49x128xf32> to vector<1xf32>
    %reduce_min3A_227 = vector.shape_cast %reduce_min3A_226 : vector<1xf32> to vector<1x1x1xf32>
    %reduce_min3A_228 = vector.extract %reduce_min3A_227[0, 0, 0] : f32 from vector<1x1x1xf32>
    %eq3A_229 = vector.broadcast %reduce_min3A_228 : f32 to vector<49x128xf32>
    %eq3A_230 = arith.cmpf oeq, %select_n3A_223, %eq3A_229 : vector<49x128xf32>
    %jit3A_231 = arith.constant -1 : i32
    %broadcast_in_dim3A_232 = vector.broadcast %jit3A_231 : i32 to vector<49x128xi32>
    %select_n3A_233 = arith.select %eq3A_230, %add3A, %broadcast_in_dim3A_232 : vector<49x128xi1>, vector<49x128xi32>
    %reduce_max3A_234 = vector.shape_cast %select_n3A_233 : vector<49x128xi32> to vector<1x49x128xi32>
    %reduce_max3A_235 = arith.constant dense<-2147483648> : vector<1xi32>
    %reduce_max3A_236 = vector.multi_reduction <maxsi>, %reduce_max3A_234, %reduce_max3A_235 [1, 2] : vector<1x49x128xi32> to vector<1xi32>
    %reduce_max3A_237 = vector.shape_cast %reduce_max3A_236 : vector<1xi32> to vector<1x1x1xi32>
    %reduce_max3A_238 = vector.extract %reduce_max3A_237[0, 0, 0] : i32 from vector<1x1x1xi32>
    %eq3A_239 = vector.broadcast %reduce_max3A_238 : i32 to vector<49x128xi32>
    %eq3A_240 = arith.cmpi eq, %add3A, %eq3A_239 : vector<49x128xi32>
    %jit3A_241 = arith.constant 0x7F800000 : f32
    %broadcast_in_dim3A_242 = vector.broadcast %jit3A_241 : f32 to vector<49x128xf32>
    %select_n3A_243 = arith.select %eq3A_240, %broadcast_in_dim3A_242, %select_n3A_223 : vector<49x128xi1>, vector<49x128xf32>
    %reduce_min3A_244 = vector.shape_cast %select_n3A_243 : vector<49x128xf32> to vector<1x49x128xf32>
    %reduce_min3A_245 = arith.constant dense<0x7F800000> : vector<1xf32>
    %reduce_min3A_246 = vector.multi_reduction <minimumf>, %reduce_min3A_244, %reduce_min3A_245 [1, 2] : vector<1x49x128xf32> to vector<1xf32>
    %reduce_min3A_247 = vector.shape_cast %reduce_min3A_246 : vector<1xf32> to vector<1x1x1xf32>
    %reduce_min3A_248 = vector.extract %reduce_min3A_247[0, 0, 0] : f32 from vector<1x1x1xf32>
    %eq3A_249 = vector.broadcast %reduce_min3A_248 : f32 to vector<49x128xf32>
    %eq3A_250 = arith.cmpf oeq, %select_n3A_243, %eq3A_249 : vector<49x128xf32>
    %jit3A_251 = arith.constant -1 : i32
    %broadcast_in_dim3A_252 = vector.broadcast %jit3A_251 : i32 to vector<49x128xi32>
    %select_n3A_253 = arith.select %eq3A_250, %add3A, %broadcast_in_dim3A_252 : vector<49x128xi1>, vector<49x128xi32>
    %reduce_max3A_254 = vector.shape_cast %select_n3A_253 : vector<49x128xi32> to vector<1x49x128xi32>
    %reduce_max3A_255 = arith.constant dense<-2147483648> : vector<1xi32>
    %reduce_max3A_256 = vector.multi_reduction <maxsi>, %reduce_max3A_254, %reduce_max3A_255 [1, 2] : vector<1x49x128xi32> to vector<1xi32>
    %reduce_max3A_257 = vector.shape_cast %reduce_max3A_256 : vector<1xi32> to vector<1x1x1xi32>
    %reduce_max3A_258 = vector.extract %reduce_max3A_257[0, 0, 0] : i32 from vector<1x1x1xi32>
    %eq3A_259 = vector.broadcast %reduce_max3A_258 : i32 to vector<49x128xi32>
    %eq3A_260 = arith.cmpi eq, %add3A, %eq3A_259 : vector<49x128xi32>
    %jit3A_261 = arith.constant 0x7F800000 : f32
    %broadcast_in_dim3A_262 = vector.broadcast %jit3A_261 : f32 to vector<49x128xf32>
    %select_n3A_263 = arith.select %eq3A_260, %broadcast_in_dim3A_262, %select_n3A_243 : vector<49x128xi1>, vector<49x128xf32>
    %reduce_min3A_264 = vector.shape_cast %select_n3A_263 : vector<49x128xf32> to vector<1x49x128xf32>
    %reduce_min3A_265 = arith.constant dense<0x7F800000> : vector<1xf32>
    %reduce_min3A_266 = vector.multi_reduction <minimumf>, %reduce_min3A_264, %reduce_min3A_265 [1, 2] : vector<1x49x128xf32> to vector<1xf32>
    %reduce_min3A_267 = vector.shape_cast %reduce_min3A_266 : vector<1xf32> to vector<1x1x1xf32>
    %reduce_min3A_268 = vector.extract %reduce_min3A_267[0, 0, 0] : f32 from vector<1x1x1xf32>
    %eq3A_269 = vector.broadcast %reduce_min3A_268 : f32 to vector<49x128xf32>
    %eq3A_270 = arith.cmpf oeq, %select_n3A_263, %eq3A_269 : vector<49x128xf32>
    %jit3A_271 = arith.constant -1 : i32
    %broadcast_in_dim3A_272 = vector.broadcast %jit3A_271 : i32 to vector<49x128xi32>
    %select_n3A_273 = arith.select %eq3A_270, %add3A, %broadcast_in_dim3A_272 : vector<49x128xi1>, vector<49x128xi32>
    %reduce_max3A_274 = vector.shape_cast %select_n3A_273 : vector<49x128xi32> to vector<1x49x128xi32>
    %reduce_max3A_275 = arith.constant dense<-2147483648> : vector<1xi32>
    %reduce_max3A_276 = vector.multi_reduction <maxsi>, %reduce_max3A_274, %reduce_max3A_275 [1, 2] : vector<1x49x128xi32> to vector<1xi32>
    %reduce_max3A_277 = vector.shape_cast %reduce_max3A_276 : vector<1xi32> to vector<1x1x1xi32>
    %reduce_max3A_278 = vector.extract %reduce_max3A_277[0, 0, 0] : i32 from vector<1x1x1xi32>
    %eq3A_279 = vector.broadcast %reduce_max3A_278 : i32 to vector<49x128xi32>
    %eq3A_280 = arith.cmpi eq, %add3A, %eq3A_279 : vector<49x128xi32>
    %jit3A_281 = arith.constant 0x7F800000 : f32
    %broadcast_in_dim3A_282 = vector.broadcast %jit3A_281 : f32 to vector<49x128xf32>
    %select_n3A_283 = arith.select %eq3A_280, %broadcast_in_dim3A_282, %select_n3A_263 : vector<49x128xi1>, vector<49x128xf32>
    %reduce_min3A_284 = vector.shape_cast %select_n3A_283 : vector<49x128xf32> to vector<1x49x128xf32>
    %reduce_min3A_285 = arith.constant dense<0x7F800000> : vector<1xf32>
    %reduce_min3A_286 = vector.multi_reduction <minimumf>, %reduce_min3A_284, %reduce_min3A_285 [1, 2] : vector<1x49x128xf32> to vector<1xf32>
    %reduce_min3A_287 = vector.shape_cast %reduce_min3A_286 : vector<1xf32> to vector<1x1x1xf32>
    %reduce_min3A_288 = vector.extract %reduce_min3A_287[0, 0, 0] : f32 from vector<1x1x1xf32>
    %eq3A_289 = vector.broadcast %reduce_min3A_288 : f32 to vector<49x128xf32>
    %eq3A_290 = arith.cmpf oeq, %select_n3A_283, %eq3A_289 : vector<49x128xf32>
    %jit3A_291 = arith.constant -1 : i32
    %broadcast_in_dim3A_292 = vector.broadcast %jit3A_291 : i32 to vector<49x128xi32>
    %select_n3A_293 = arith.select %eq3A_290, %add3A, %broadcast_in_dim3A_292 : vector<49x128xi1>, vector<49x128xi32>
    %reduce_max3A_294 = vector.shape_cast %select_n3A_293 : vector<49x128xi32> to vector<1x49x128xi32>
    %reduce_max3A_295 = arith.constant dense<-2147483648> : vector<1xi32>
    %reduce_max3A_296 = vector.multi_reduction <maxsi>, %reduce_max3A_294, %reduce_max3A_295 [1, 2] : vector<1x49x128xi32> to vector<1xi32>
    %reduce_max3A_297 = vector.shape_cast %reduce_max3A_296 : vector<1xi32> to vector<1x1x1xi32>
    %reduce_max3A_298 = vector.extract %reduce_max3A_297[0, 0, 0] : i32 from vector<1x1x1xi32>
    %eq3A_299 = vector.broadcast %reduce_max3A_298 : i32 to vector<49x128xi32>
    %eq3A_300 = arith.cmpi eq, %add3A, %eq3A_299 : vector<49x128xi32>
    %jit3A_301 = arith.constant 0x7F800000 : f32
    %broadcast_in_dim3A_302 = vector.broadcast %jit3A_301 : f32 to vector<49x128xf32>
    %select_n3A_303 = arith.select %eq3A_300, %broadcast_in_dim3A_302, %select_n3A_283 : vector<49x128xi1>, vector<49x128xf32>
    %reduce_min3A_304 = vector.shape_cast %select_n3A_303 : vector<49x128xf32> to vector<1x49x128xf32>
    %reduce_min3A_305 = arith.constant dense<0x7F800000> : vector<1xf32>
    %reduce_min3A_306 = vector.multi_reduction <minimumf>, %reduce_min3A_304, %reduce_min3A_305 [1, 2] : vector<1x49x128xf32> to vector<1xf32>
    %reduce_min3A_307 = vector.shape_cast %reduce_min3A_306 : vector<1xf32> to vector<1x1x1xf32>
    %reduce_min3A_308 = vector.extract %reduce_min3A_307[0, 0, 0] : f32 from vector<1x1x1xf32>
    %eq3A_309 = vector.broadcast %reduce_min3A_308 : f32 to vector<49x128xf32>
    %eq3A_310 = arith.cmpf oeq, %select_n3A_303, %eq3A_309 : vector<49x128xf32>
    %jit3A_311 = arith.constant -1 : i32
    %broadcast_in_dim3A_312 = vector.broadcast %jit3A_311 : i32 to vector<49x128xi32>
    %select_n3A_313 = arith.select %eq3A_310, %add3A, %broadcast_in_dim3A_312 : vector<49x128xi1>, vector<49x128xi32>
    %reduce_max3A_314 = vector.shape_cast %select_n3A_313 : vector<49x128xi32> to vector<1x49x128xi32>
    %reduce_max3A_315 = arith.constant dense<-2147483648> : vector<1xi32>
    %reduce_max3A_316 = vector.multi_reduction <maxsi>, %reduce_max3A_314, %reduce_max3A_315 [1, 2] : vector<1x49x128xi32> to vector<1xi32>
    %reduce_max3A_317 = vector.shape_cast %reduce_max3A_316 : vector<1xi32> to vector<1x1x1xi32>
    %reduce_max3A_318 = vector.extract %reduce_max3A_317[0, 0, 0] : i32 from vector<1x1x1xi32>
    %mul3A_319 = arith.constant 6272 : i32
    %mul3A_320 = arith.muli %arg0, %mul3A_319 : i32
    %add3A_321 = arith.addi %mul3A_320, %reduce_min3A_23 : i32
    %dma_start3A = arith.constant 0 : i32
    %dma_start3A_322 = arith.constant 0 : i32
    %dma_start3A_323 = tpu.memref_slice %arg8[%dma_start3A, %dma_start3A_322] : memref<16x512xf32, #tpu.memory_space<vmem>> -> memref<1x512xf32, #tpu.memory_space<vmem>>
    %dma_start3A_324 = arith.constant 0 : i32
    %dma_start3A_325 = tpu.memref_slice %arg3[%add3A_321, %dma_start3A_324] : memref<50176x512xf32, #tpu.memory_space<any>> -> memref<1x512xf32, #tpu.memory_space<any>>
    tpu.enqueue_dma source(%dma_start3A_325 : memref<1x512xf32, #tpu.memory_space<any>>) target(%dma_start3A_323 : memref<1x512xf32, #tpu.memory_space<vmem>>) target_semaphore(%arg9 : memref<!tpu.dma_semaphore, #tpu.memory_space<semaphore_mem>>)
    %mul3A_326 = arith.constant 6272 : i32
    %mul3A_327 = arith.muli %arg0, %mul3A_326 : i32
    %add3A_328 = arith.addi %mul3A_327, %reduce_min3A_43 : i32
    %dma_start3A_329 = arith.constant 1 : i32
    %dma_start3A_330 = arith.constant 0 : i32
    %dma_start3A_331 = tpu.memref_slice %arg8[%dma_start3A_329, %dma_start3A_330] : memref<16x512xf32, #tpu.memory_space<vmem>> -> memref<1x512xf32, #tpu.memory_space<vmem>>
    %dma_start3A_332 = arith.constant 0 : i32
    %dma_start3A_333 = tpu.memref_slice %arg3[%add3A_328, %dma_start3A_332] : memref<50176x512xf32, #tpu.memory_space<any>> -> memref<1x512xf32, #tpu.memory_space<any>>
    tpu.enqueue_dma source(%dma_start3A_333 : memref<1x512xf32, #tpu.memory_space<any>>) target(%dma_start3A_331 : memref<1x512xf32, #tpu.memory_space<vmem>>) target_semaphore(%arg9 : memref<!tpu.dma_semaphore, #tpu.memory_space<semaphore_mem>>)
    %mul3A_334 = arith.constant 6272 : i32
    %mul3A_335 = arith.muli %arg0, %mul3A_334 : i32
    %add3A_336 = arith.addi %mul3A_335, %reduce_min3A_63 : i32
    %dma_start3A_337 = arith.constant 2 : i32
    %dma_start3A_338 = arith.constant 0 : i32
    %dma_start3A_339 = tpu.memref_slice %arg8[%dma_start3A_337, %dma_start3A_338] : memref<16x512xf32, #tpu.memory_space<vmem>> -> memref<1x512xf32, #tpu.memory_space<vmem>>
    %dma_start3A_340 = arith.constant 0 : i32
    %dma_start3A_341 = tpu.memref_slice %arg3[%add3A_336, %dma_start3A_340] : memref<50176x512xf32, #tpu.memory_space<any>> -> memref<1x512xf32, #tpu.memory_space<any>>
    tpu.enqueue_dma source(%dma_start3A_341 : memref<1x512xf32, #tpu.memory_space<any>>) target(%dma_start3A_339 : memref<1x512xf32, #tpu.memory_space<vmem>>) target_semaphore(%arg9 : memref<!tpu.dma_semaphore, #tpu.memory_space<semaphore_mem>>)
    %mul3A_342 = arith.constant 6272 : i32
    %mul3A_343 = arith.muli %arg0, %mul3A_342 : i32
    %add3A_344 = arith.addi %mul3A_343, %reduce_min3A_83 : i32
    %dma_start3A_345 = arith.constant 3 : i32
    %dma_start3A_346 = arith.constant 0 : i32
    %dma_start3A_347 = tpu.memref_slice %arg8[%dma_start3A_345, %dma_start3A_346] : memref<16x512xf32, #tpu.memory_space<vmem>> -> memref<1x512xf32, #tpu.memory_space<vmem>>
    %dma_start3A_348 = arith.constant 0 : i32
    %dma_start3A_349 = tpu.memref_slice %arg3[%add3A_344, %dma_start3A_348] : memref<50176x512xf32, #tpu.memory_space<any>> -> memref<1x512xf32, #tpu.memory_space<any>>
    tpu.enqueue_dma source(%dma_start3A_349 : memref<1x512xf32, #tpu.memory_space<any>>) target(%dma_start3A_347 : memref<1x512xf32, #tpu.memory_space<vmem>>) target_semaphore(%arg9 : memref<!tpu.dma_semaphore, #tpu.memory_space<semaphore_mem>>)
    %mul3A_350 = arith.constant 6272 : i32
    %mul3A_351 = arith.muli %arg0, %mul3A_350 : i32
    %add3A_352 = arith.addi %mul3A_351, %reduce_min3A_103 : i32
    %dma_start3A_353 = arith.constant 4 : i32
    %dma_start3A_354 = arith.constant 0 : i32
    %dma_start3A_355 = tpu.memref_slice %arg8[%dma_start3A_353, %dma_start3A_354] : memref<16x512xf32, #tpu.memory_space<vmem>> -> memref<1x512xf32, #tpu.memory_space<vmem>>
    %dma_start3A_356 = arith.constant 0 : i32
    %dma_start3A_357 = tpu.memref_slice %arg3[%add3A_352, %dma_start3A_356] : memref<50176x512xf32, #tpu.memory_space<any>> -> memref<1x512xf32, #tpu.memory_space<any>>
    tpu.enqueue_dma source(%dma_start3A_357 : memref<1x512xf32, #tpu.memory_space<any>>) target(%dma_start3A_355 : memref<1x512xf32, #tpu.memory_space<vmem>>) target_semaphore(%arg9 : memref<!tpu.dma_semaphore, #tpu.memory_space<semaphore_mem>>)
    %mul3A_358 = arith.constant 6272 : i32
    %mul3A_359 = arith.muli %arg0, %mul3A_358 : i32
    %add3A_360 = arith.addi %mul3A_359, %reduce_min3A_123 : i32
    %dma_start3A_361 = arith.constant 5 : i32
    %dma_start3A_362 = arith.constant 0 : i32
    %dma_start3A_363 = tpu.memref_slice %arg8[%dma_start3A_361, %dma_start3A_362] : memref<16x512xf32, #tpu.memory_space<vmem>> -> memref<1x512xf32, #tpu.memory_space<vmem>>
    %dma_start3A_364 = arith.constant 0 : i32
    %dma_start3A_365 = tpu.memref_slice %arg3[%add3A_360, %dma_start3A_364] : memref<50176x512xf32, #tpu.memory_space<any>> -> memref<1x512xf32, #tpu.memory_space<any>>
    tpu.enqueue_dma source(%dma_start3A_365 : memref<1x512xf32, #tpu.memory_space<any>>) target(%dma_start3A_363 : memref<1x512xf32, #tpu.memory_space<vmem>>) target_semaphore(%arg9 : memref<!tpu.dma_semaphore, #tpu.memory_space<semaphore_mem>>)
    %mul3A_366 = arith.constant 6272 : i32
    %mul3A_367 = arith.muli %arg0, %mul3A_366 : i32
    %add3A_368 = arith.addi %mul3A_367, %reduce_min3A_143 : i32
    %dma_start3A_369 = arith.constant 6 : i32
    %dma_start3A_370 = arith.constant 0 : i32
    %dma_start3A_371 = tpu.memref_slice %arg8[%dma_start3A_369, %dma_start3A_370] : memref<16x512xf32, #tpu.memory_space<vmem>> -> memref<1x512xf32, #tpu.memory_space<vmem>>
    %dma_start3A_372 = arith.constant 0 : i32
    %dma_start3A_373 = tpu.memref_slice %arg3[%add3A_368, %dma_start3A_372] : memref<50176x512xf32, #tpu.memory_space<any>> -> memref<1x512xf32, #tpu.memory_space<any>>
    tpu.enqueue_dma source(%dma_start3A_373 : memref<1x512xf32, #tpu.memory_space<any>>) target(%dma_start3A_371 : memref<1x512xf32, #tpu.memory_space<vmem>>) target_semaphore(%arg9 : memref<!tpu.dma_semaphore, #tpu.memory_space<semaphore_mem>>)
    %mul3A_374 = arith.constant 6272 : i32
    %mul3A_375 = arith.muli %arg0, %mul3A_374 : i32
    %add3A_376 = arith.addi %mul3A_375, %reduce_min3A_163 : i32
    %dma_start3A_377 = arith.constant 7 : i32
    %dma_start3A_378 = arith.constant 0 : i32
    %dma_start3A_379 = tpu.memref_slice %arg8[%dma_start3A_377, %dma_start3A_378] : memref<16x512xf32, #tpu.memory_space<vmem>> -> memref<1x512xf32, #tpu.memory_space<vmem>>
    %dma_start3A_380 = arith.constant 0 : i32
    %dma_start3A_381 = tpu.memref_slice %arg3[%add3A_376, %dma_start3A_380] : memref<50176x512xf32, #tpu.memory_space<any>> -> memref<1x512xf32, #tpu.memory_space<any>>
    tpu.enqueue_dma source(%dma_start3A_381 : memref<1x512xf32, #tpu.memory_space<any>>) target(%dma_start3A_379 : memref<1x512xf32, #tpu.memory_space<vmem>>) target_semaphore(%arg9 : memref<!tpu.dma_semaphore, #tpu.memory_space<semaphore_mem>>)
    %mul3A_382 = arith.constant 6272 : i32
    %mul3A_383 = arith.muli %arg0, %mul3A_382 : i32
    %add3A_384 = arith.addi %mul3A_383, %reduce_max3A_318 : i32
    %dma_start3A_385 = arith.constant 8 : i32
    %dma_start3A_386 = arith.constant 0 : i32
    %dma_start3A_387 = tpu.memref_slice %arg8[%dma_start3A_385, %dma_start3A_386] : memref<16x512xf32, #tpu.memory_space<vmem>> -> memref<1x512xf32, #tpu.memory_space<vmem>>
    %dma_start3A_388 = arith.constant 0 : i32
    %dma_start3A_389 = tpu.memref_slice %arg3[%add3A_384, %dma_start3A_388] : memref<50176x512xf32, #tpu.memory_space<any>> -> memref<1x512xf32, #tpu.memory_space<any>>
    tpu.enqueue_dma source(%dma_start3A_389 : memref<1x512xf32, #tpu.memory_space<any>>) target(%dma_start3A_387 : memref<1x512xf32, #tpu.memory_space<vmem>>) target_semaphore(%arg9 : memref<!tpu.dma_semaphore, #tpu.memory_space<semaphore_mem>>)
    %mul3A_390 = arith.constant 6272 : i32
    %mul3A_391 = arith.muli %arg0, %mul3A_390 : i32
    %add3A_392 = arith.addi %mul3A_391, %reduce_max3A_298 : i32
    %dma_start3A_393 = arith.constant 9 : i32
    %dma_start3A_394 = arith.constant 0 : i32
    %dma_start3A_395 = tpu.memref_slice %arg8[%dma_start3A_393, %dma_start3A_394] : memref<16x512xf32, #tpu.memory_space<vmem>> -> memref<1x512xf32, #tpu.memory_space<vmem>>
    %dma_start3A_396 = arith.constant 0 : i32
    %dma_start3A_397 = tpu.memref_slice %arg3[%add3A_392, %dma_start3A_396] : memref<50176x512xf32, #tpu.memory_space<any>> -> memref<1x512xf32, #tpu.memory_space<any>>
    tpu.enqueue_dma source(%dma_start3A_397 : memref<1x512xf32, #tpu.memory_space<any>>) target(%dma_start3A_395 : memref<1x512xf32, #tpu.memory_space<vmem>>) target_semaphore(%arg9 : memref<!tpu.dma_semaphore, #tpu.memory_space<semaphore_mem>>)
    %mul3A_398 = arith.constant 6272 : i32
    %mul3A_399 = arith.muli %arg0, %mul3A_398 : i32
    %add3A_400 = arith.addi %mul3A_399, %reduce_max3A_278 : i32
    %dma_start3A_401 = arith.constant 10 : i32
    %dma_start3A_402 = arith.constant 0 : i32
    %dma_start3A_403 = tpu.memref_slice %arg8[%dma_start3A_401, %dma_start3A_402] : memref<16x512xf32, #tpu.memory_space<vmem>> -> memref<1x512xf32, #tpu.memory_space<vmem>>
    %dma_start3A_404 = arith.constant 0 : i32
    %dma_start3A_405 = tpu.memref_slice %arg3[%add3A_400, %dma_start3A_404] : memref<50176x512xf32, #tpu.memory_space<any>> -> memref<1x512xf32, #tpu.memory_space<any>>
    tpu.enqueue_dma source(%dma_start3A_405 : memref<1x512xf32, #tpu.memory_space<any>>) target(%dma_start3A_403 : memref<1x512xf32, #tpu.memory_space<vmem>>) target_semaphore(%arg9 : memref<!tpu.dma_semaphore, #tpu.memory_space<semaphore_mem>>)
    %mul3A_406 = arith.constant 6272 : i32
    %mul3A_407 = arith.muli %arg0, %mul3A_406 : i32
    %add3A_408 = arith.addi %mul3A_407, %reduce_max3A_258 : i32
    %dma_start3A_409 = arith.constant 11 : i32
    %dma_start3A_410 = arith.constant 0 : i32
    %dma_start3A_411 = tpu.memref_slice %arg8[%dma_start3A_409, %dma_start3A_410] : memref<16x512xf32, #tpu.memory_space<vmem>> -> memref<1x512xf32, #tpu.memory_space<vmem>>
    %dma_start3A_412 = arith.constant 0 : i32
    %dma_start3A_413 = tpu.memref_slice %arg3[%add3A_408, %dma_start3A_412] : memref<50176x512xf32, #tpu.memory_space<any>> -> memref<1x512xf32, #tpu.memory_space<any>>
    tpu.enqueue_dma source(%dma_start3A_413 : memref<1x512xf32, #tpu.memory_space<any>>) target(%dma_start3A_411 : memref<1x512xf32, #tpu.memory_space<vmem>>) target_semaphore(%arg9 : memref<!tpu.dma_semaphore, #tpu.memory_space<semaphore_mem>>)
    %mul3A_414 = arith.constant 6272 : i32
    %mul3A_415 = arith.muli %arg0, %mul3A_414 : i32
    %add3A_416 = arith.addi %mul3A_415, %reduce_max3A_238 : i32
    %dma_start3A_417 = arith.constant 12 : i32
    %dma_start3A_418 = arith.constant 0 : i32
    %dma_start3A_419 = tpu.memref_slice %arg8[%dma_start3A_417, %dma_start3A_418] : memref<16x512xf32, #tpu.memory_space<vmem>> -> memref<1x512xf32, #tpu.memory_space<vmem>>
    %dma_start3A_420 = arith.constant 0 : i32
    %dma_start3A_421 = tpu.memref_slice %arg3[%add3A_416, %dma_start3A_420] : memref<50176x512xf32, #tpu.memory_space<any>> -> memref<1x512xf32, #tpu.memory_space<any>>
    tpu.enqueue_dma source(%dma_start3A_421 : memref<1x512xf32, #tpu.memory_space<any>>) target(%dma_start3A_419 : memref<1x512xf32, #tpu.memory_space<vmem>>) target_semaphore(%arg9 : memref<!tpu.dma_semaphore, #tpu.memory_space<semaphore_mem>>)
    %mul3A_422 = arith.constant 6272 : i32
    %mul3A_423 = arith.muli %arg0, %mul3A_422 : i32
    %add3A_424 = arith.addi %mul3A_423, %reduce_max3A_218 : i32
    %dma_start3A_425 = arith.constant 13 : i32
    %dma_start3A_426 = arith.constant 0 : i32
    %dma_start3A_427 = tpu.memref_slice %arg8[%dma_start3A_425, %dma_start3A_426] : memref<16x512xf32, #tpu.memory_space<vmem>> -> memref<1x512xf32, #tpu.memory_space<vmem>>
    %dma_start3A_428 = arith.constant 0 : i32
    %dma_start3A_429 = tpu.memref_slice %arg3[%add3A_424, %dma_start3A_428] : memref<50176x512xf32, #tpu.memory_space<any>> -> memref<1x512xf32, #tpu.memory_space<any>>
    tpu.enqueue_dma source(%dma_start3A_429 : memref<1x512xf32, #tpu.memory_space<any>>) target(%dma_start3A_427 : memref<1x512xf32, #tpu.memory_space<vmem>>) target_semaphore(%arg9 : memref<!tpu.dma_semaphore, #tpu.memory_space<semaphore_mem>>)
    %mul3A_430 = arith.constant 6272 : i32
    %mul3A_431 = arith.muli %arg0, %mul3A_430 : i32
    %add3A_432 = arith.addi %mul3A_431, %reduce_max3A_198 : i32
    %dma_start3A_433 = arith.constant 14 : i32
    %dma_start3A_434 = arith.constant 0 : i32
    %dma_start3A_435 = tpu.memref_slice %arg8[%dma_start3A_433, %dma_start3A_434] : memref<16x512xf32, #tpu.memory_space<vmem>> -> memref<1x512xf32, #tpu.memory_space<vmem>>
    %dma_start3A_436 = arith.constant 0 : i32
    %dma_start3A_437 = tpu.memref_slice %arg3[%add3A_432, %dma_start3A_436] : memref<50176x512xf32, #tpu.memory_space<any>> -> memref<1x512xf32, #tpu.memory_space<any>>
    tpu.enqueue_dma source(%dma_start3A_437 : memref<1x512xf32, #tpu.memory_space<any>>) target(%dma_start3A_435 : memref<1x512xf32, #tpu.memory_space<vmem>>) target_semaphore(%arg9 : memref<!tpu.dma_semaphore, #tpu.memory_space<semaphore_mem>>)
    %mul3A_438 = arith.constant 6272 : i32
    %mul3A_439 = arith.muli %arg0, %mul3A_438 : i32
    %add3A_440 = arith.addi %mul3A_439, %reduce_max3A_178 : i32
    %dma_start3A_441 = arith.constant 15 : i32
    %dma_start3A_442 = arith.constant 0 : i32
    %dma_start3A_443 = tpu.memref_slice %arg8[%dma_start3A_441, %dma_start3A_442] : memref<16x512xf32, #tpu.memory_space<vmem>> -> memref<1x512xf32, #tpu.memory_space<vmem>>
    %dma_start3A_444 = arith.constant 0 : i32
    %dma_start3A_445 = tpu.memref_slice %arg3[%add3A_440, %dma_start3A_444] : memref<50176x512xf32, #tpu.memory_space<any>> -> memref<1x512xf32, #tpu.memory_space<any>>
    tpu.enqueue_dma source(%dma_start3A_445 : memref<1x512xf32, #tpu.memory_space<any>>) target(%dma_start3A_443 : memref<1x512xf32, #tpu.memory_space<vmem>>) target_semaphore(%arg9 : memref<!tpu.dma_semaphore, #tpu.memory_space<semaphore_mem>>)
    %dma_wait3A = arith.constant 0 : i32
    %dma_wait3A_446 = arith.constant 0 : i32
    %dma_wait3A_447 = tpu.memref_slice %arg8[%dma_wait3A, %dma_wait3A_446] : memref<16x512xf32, #tpu.memory_space<vmem>> -> memref<1x512xf32, #tpu.memory_space<vmem>>
    %dma_wait3A_448 = arith.constant 0 : i32
    %dma_wait3A_449 = tpu.memref_slice %arg3[%add3A_321, %dma_wait3A_448] : memref<50176x512xf32, #tpu.memory_space<any>> -> memref<1x512xf32, #tpu.memory_space<any>>
    tpu.wait_dma2 semaphore(%arg9 : memref<!tpu.dma_semaphore, #tpu.memory_space<semaphore_mem>>) src(%dma_wait3A_449 : memref<1x512xf32, #tpu.memory_space<any>>) dst(%dma_wait3A_447 : memref<1x512xf32, #tpu.memory_space<vmem>>)
    %dma_wait3A_450 = arith.constant 1 : i32
    %dma_wait3A_451 = arith.constant 0 : i32
    %dma_wait3A_452 = tpu.memref_slice %arg8[%dma_wait3A_450, %dma_wait3A_451] : memref<16x512xf32, #tpu.memory_space<vmem>> -> memref<1x512xf32, #tpu.memory_space<vmem>>
    %dma_wait3A_453 = arith.constant 0 : i32
    %dma_wait3A_454 = tpu.memref_slice %arg3[%add3A_328, %dma_wait3A_453] : memref<50176x512xf32, #tpu.memory_space<any>> -> memref<1x512xf32, #tpu.memory_space<any>>
    tpu.wait_dma2 semaphore(%arg9 : memref<!tpu.dma_semaphore, #tpu.memory_space<semaphore_mem>>) src(%dma_wait3A_454 : memref<1x512xf32, #tpu.memory_space<any>>) dst(%dma_wait3A_452 : memref<1x512xf32, #tpu.memory_space<vmem>>)
    %dma_wait3A_455 = arith.constant 2 : i32
    %dma_wait3A_456 = arith.constant 0 : i32
    %dma_wait3A_457 = tpu.memref_slice %arg8[%dma_wait3A_455, %dma_wait3A_456] : memref<16x512xf32, #tpu.memory_space<vmem>> -> memref<1x512xf32, #tpu.memory_space<vmem>>
    %dma_wait3A_458 = arith.constant 0 : i32
    %dma_wait3A_459 = tpu.memref_slice %arg3[%add3A_336, %dma_wait3A_458] : memref<50176x512xf32, #tpu.memory_space<any>> -> memref<1x512xf32, #tpu.memory_space<any>>
    tpu.wait_dma2 semaphore(%arg9 : memref<!tpu.dma_semaphore, #tpu.memory_space<semaphore_mem>>) src(%dma_wait3A_459 : memref<1x512xf32, #tpu.memory_space<any>>) dst(%dma_wait3A_457 : memref<1x512xf32, #tpu.memory_space<vmem>>)
    %dma_wait3A_460 = arith.constant 3 : i32
    %dma_wait3A_461 = arith.constant 0 : i32
    %dma_wait3A_462 = tpu.memref_slice %arg8[%dma_wait3A_460, %dma_wait3A_461] : memref<16x512xf32, #tpu.memory_space<vmem>> -> memref<1x512xf32, #tpu.memory_space<vmem>>
    %dma_wait3A_463 = arith.constant 0 : i32
    %dma_wait3A_464 = tpu.memref_slice %arg3[%add3A_344, %dma_wait3A_463] : memref<50176x512xf32, #tpu.memory_space<any>> -> memref<1x512xf32, #tpu.memory_space<any>>
    tpu.wait_dma2 semaphore(%arg9 : memref<!tpu.dma_semaphore, #tpu.memory_space<semaphore_mem>>) src(%dma_wait3A_464 : memref<1x512xf32, #tpu.memory_space<any>>) dst(%dma_wait3A_462 : memref<1x512xf32, #tpu.memory_space<vmem>>)
    %dma_wait3A_465 = arith.constant 4 : i32
    %dma_wait3A_466 = arith.constant 0 : i32
    %dma_wait3A_467 = tpu.memref_slice %arg8[%dma_wait3A_465, %dma_wait3A_466] : memref<16x512xf32, #tpu.memory_space<vmem>> -> memref<1x512xf32, #tpu.memory_space<vmem>>
    %dma_wait3A_468 = arith.constant 0 : i32
    %dma_wait3A_469 = tpu.memref_slice %arg3[%add3A_352, %dma_wait3A_468] : memref<50176x512xf32, #tpu.memory_space<any>> -> memref<1x512xf32, #tpu.memory_space<any>>
    tpu.wait_dma2 semaphore(%arg9 : memref<!tpu.dma_semaphore, #tpu.memory_space<semaphore_mem>>) src(%dma_wait3A_469 : memref<1x512xf32, #tpu.memory_space<any>>) dst(%dma_wait3A_467 : memref<1x512xf32, #tpu.memory_space<vmem>>)
    %dma_wait3A_470 = arith.constant 5 : i32
    %dma_wait3A_471 = arith.constant 0 : i32
    %dma_wait3A_472 = tpu.memref_slice %arg8[%dma_wait3A_470, %dma_wait3A_471] : memref<16x512xf32, #tpu.memory_space<vmem>> -> memref<1x512xf32, #tpu.memory_space<vmem>>
    %dma_wait3A_473 = arith.constant 0 : i32
    %dma_wait3A_474 = tpu.memref_slice %arg3[%add3A_360, %dma_wait3A_473] : memref<50176x512xf32, #tpu.memory_space<any>> -> memref<1x512xf32, #tpu.memory_space<any>>
    tpu.wait_dma2 semaphore(%arg9 : memref<!tpu.dma_semaphore, #tpu.memory_space<semaphore_mem>>) src(%dma_wait3A_474 : memref<1x512xf32, #tpu.memory_space<any>>) dst(%dma_wait3A_472 : memref<1x512xf32, #tpu.memory_space<vmem>>)
    %dma_wait3A_475 = arith.constant 6 : i32
    %dma_wait3A_476 = arith.constant 0 : i32
    %dma_wait3A_477 = tpu.memref_slice %arg8[%dma_wait3A_475, %dma_wait3A_476] : memref<16x512xf32, #tpu.memory_space<vmem>> -> memref<1x512xf32, #tpu.memory_space<vmem>>
    %dma_wait3A_478 = arith.constant 0 : i32
    %dma_wait3A_479 = tpu.memref_slice %arg3[%add3A_368, %dma_wait3A_478] : memref<50176x512xf32, #tpu.memory_space<any>> -> memref<1x512xf32, #tpu.memory_space<any>>
    tpu.wait_dma2 semaphore(%arg9 : memref<!tpu.dma_semaphore, #tpu.memory_space<semaphore_mem>>) src(%dma_wait3A_479 : memref<1x512xf32, #tpu.memory_space<any>>) dst(%dma_wait3A_477 : memref<1x512xf32, #tpu.memory_space<vmem>>)
    %dma_wait3A_480 = arith.constant 7 : i32
    %dma_wait3A_481 = arith.constant 0 : i32
    %dma_wait3A_482 = tpu.memref_slice %arg8[%dma_wait3A_480, %dma_wait3A_481] : memref<16x512xf32, #tpu.memory_space<vmem>> -> memref<1x512xf32, #tpu.memory_space<vmem>>
    %dma_wait3A_483 = arith.constant 0 : i32
    %dma_wait3A_484 = tpu.memref_slice %arg3[%add3A_376, %dma_wait3A_483] : memref<50176x512xf32, #tpu.memory_space<any>> -> memref<1x512xf32, #tpu.memory_space<any>>
    tpu.wait_dma2 semaphore(%arg9 : memref<!tpu.dma_semaphore, #tpu.memory_space<semaphore_mem>>) src(%dma_wait3A_484 : memref<1x512xf32, #tpu.memory_space<any>>) dst(%dma_wait3A_482 : memref<1x512xf32, #tpu.memory_space<vmem>>)
    %dma_wait3A_485 = arith.constant 8 : i32
    %dma_wait3A_486 = arith.constant 0 : i32
    %dma_wait3A_487 = tpu.memref_slice %arg8[%dma_wait3A_485, %dma_wait3A_486] : memref<16x512xf32, #tpu.memory_space<vmem>> -> memref<1x512xf32, #tpu.memory_space<vmem>>
    %dma_wait3A_488 = arith.constant 0 : i32
    %dma_wait3A_489 = tpu.memref_slice %arg3[%add3A_384, %dma_wait3A_488] : memref<50176x512xf32, #tpu.memory_space<any>> -> memref<1x512xf32, #tpu.memory_space<any>>
    tpu.wait_dma2 semaphore(%arg9 : memref<!tpu.dma_semaphore, #tpu.memory_space<semaphore_mem>>) src(%dma_wait3A_489 : memref<1x512xf32, #tpu.memory_space<any>>) dst(%dma_wait3A_487 : memref<1x512xf32, #tpu.memory_space<vmem>>)
    %dma_wait3A_490 = arith.constant 9 : i32
    %dma_wait3A_491 = arith.constant 0 : i32
    %dma_wait3A_492 = tpu.memref_slice %arg8[%dma_wait3A_490, %dma_wait3A_491] : memref<16x512xf32, #tpu.memory_space<vmem>> -> memref<1x512xf32, #tpu.memory_space<vmem>>
    %dma_wait3A_493 = arith.constant 0 : i32
    %dma_wait3A_494 = tpu.memref_slice %arg3[%add3A_392, %dma_wait3A_493] : memref<50176x512xf32, #tpu.memory_space<any>> -> memref<1x512xf32, #tpu.memory_space<any>>
    tpu.wait_dma2 semaphore(%arg9 : memref<!tpu.dma_semaphore, #tpu.memory_space<semaphore_mem>>) src(%dma_wait3A_494 : memref<1x512xf32, #tpu.memory_space<any>>) dst(%dma_wait3A_492 : memref<1x512xf32, #tpu.memory_space<vmem>>)
    %dma_wait3A_495 = arith.constant 10 : i32
    %dma_wait3A_496 = arith.constant 0 : i32
    %dma_wait3A_497 = tpu.memref_slice %arg8[%dma_wait3A_495, %dma_wait3A_496] : memref<16x512xf32, #tpu.memory_space<vmem>> -> memref<1x512xf32, #tpu.memory_space<vmem>>
    %dma_wait3A_498 = arith.constant 0 : i32
    %dma_wait3A_499 = tpu.memref_slice %arg3[%add3A_400, %dma_wait3A_498] : memref<50176x512xf32, #tpu.memory_space<any>> -> memref<1x512xf32, #tpu.memory_space<any>>
    tpu.wait_dma2 semaphore(%arg9 : memref<!tpu.dma_semaphore, #tpu.memory_space<semaphore_mem>>) src(%dma_wait3A_499 : memref<1x512xf32, #tpu.memory_space<any>>) dst(%dma_wait3A_497 : memref<1x512xf32, #tpu.memory_space<vmem>>)
    %dma_wait3A_500 = arith.constant 11 : i32
    %dma_wait3A_501 = arith.constant 0 : i32
    %dma_wait3A_502 = tpu.memref_slice %arg8[%dma_wait3A_500, %dma_wait3A_501] : memref<16x512xf32, #tpu.memory_space<vmem>> -> memref<1x512xf32, #tpu.memory_space<vmem>>
    %dma_wait3A_503 = arith.constant 0 : i32
    %dma_wait3A_504 = tpu.memref_slice %arg3[%add3A_408, %dma_wait3A_503] : memref<50176x512xf32, #tpu.memory_space<any>> -> memref<1x512xf32, #tpu.memory_space<any>>
    tpu.wait_dma2 semaphore(%arg9 : memref<!tpu.dma_semaphore, #tpu.memory_space<semaphore_mem>>) src(%dma_wait3A_504 : memref<1x512xf32, #tpu.memory_space<any>>) dst(%dma_wait3A_502 : memref<1x512xf32, #tpu.memory_space<vmem>>)
    %dma_wait3A_505 = arith.constant 12 : i32
    %dma_wait3A_506 = arith.constant 0 : i32
    %dma_wait3A_507 = tpu.memref_slice %arg8[%dma_wait3A_505, %dma_wait3A_506] : memref<16x512xf32, #tpu.memory_space<vmem>> -> memref<1x512xf32, #tpu.memory_space<vmem>>
    %dma_wait3A_508 = arith.constant 0 : i32
    %dma_wait3A_509 = tpu.memref_slice %arg3[%add3A_416, %dma_wait3A_508] : memref<50176x512xf32, #tpu.memory_space<any>> -> memref<1x512xf32, #tpu.memory_space<any>>
    tpu.wait_dma2 semaphore(%arg9 : memref<!tpu.dma_semaphore, #tpu.memory_space<semaphore_mem>>) src(%dma_wait3A_509 : memref<1x512xf32, #tpu.memory_space<any>>) dst(%dma_wait3A_507 : memref<1x512xf32, #tpu.memory_space<vmem>>)
    %dma_wait3A_510 = arith.constant 13 : i32
    %dma_wait3A_511 = arith.constant 0 : i32
    %dma_wait3A_512 = tpu.memref_slice %arg8[%dma_wait3A_510, %dma_wait3A_511] : memref<16x512xf32, #tpu.memory_space<vmem>> -> memref<1x512xf32, #tpu.memory_space<vmem>>
    %dma_wait3A_513 = arith.constant 0 : i32
    %dma_wait3A_514 = tpu.memref_slice %arg3[%add3A_424, %dma_wait3A_513] : memref<50176x512xf32, #tpu.memory_space<any>> -> memref<1x512xf32, #tpu.memory_space<any>>
    tpu.wait_dma2 semaphore(%arg9 : memref<!tpu.dma_semaphore, #tpu.memory_space<semaphore_mem>>) src(%dma_wait3A_514 : memref<1x512xf32, #tpu.memory_space<any>>) dst(%dma_wait3A_512 : memref<1x512xf32, #tpu.memory_space<vmem>>)
    %dma_wait3A_515 = arith.constant 14 : i32
    %dma_wait3A_516 = arith.constant 0 : i32
    %dma_wait3A_517 = tpu.memref_slice %arg8[%dma_wait3A_515, %dma_wait3A_516] : memref<16x512xf32, #tpu.memory_space<vmem>> -> memref<1x512xf32, #tpu.memory_space<vmem>>
    %dma_wait3A_518 = arith.constant 0 : i32
    %dma_wait3A_519 = tpu.memref_slice %arg3[%add3A_432, %dma_wait3A_518] : memref<50176x512xf32, #tpu.memory_space<any>> -> memref<1x512xf32, #tpu.memory_space<any>>
    tpu.wait_dma2 semaphore(%arg9 : memref<!tpu.dma_semaphore, #tpu.memory_space<semaphore_mem>>) src(%dma_wait3A_519 : memref<1x512xf32, #tpu.memory_space<any>>) dst(%dma_wait3A_517 : memref<1x512xf32, #tpu.memory_space<vmem>>)
    %dma_wait3A_520 = arith.constant 15 : i32
    %dma_wait3A_521 = arith.constant 0 : i32
    %dma_wait3A_522 = tpu.memref_slice %arg8[%dma_wait3A_520, %dma_wait3A_521] : memref<16x512xf32, #tpu.memory_space<vmem>> -> memref<1x512xf32, #tpu.memory_space<vmem>>
    %dma_wait3A_523 = arith.constant 0 : i32
    %dma_wait3A_524 = tpu.memref_slice %arg3[%add3A_440, %dma_wait3A_523] : memref<50176x512xf32, #tpu.memory_space<any>> -> memref<1x512xf32, #tpu.memory_space<any>>
    tpu.wait_dma2 semaphore(%arg9 : memref<!tpu.dma_semaphore, #tpu.memory_space<semaphore_mem>>) src(%dma_wait3A_524 : memref<1x512xf32, #tpu.memory_space<any>>) dst(%dma_wait3A_522 : memref<1x512xf32, #tpu.memory_space<vmem>>)
    %get3A_525 = arith.constant 0 : index
    %get3A_526 = arith.constant 0 : index
    %get3A_527 = vector.load %arg8[%get3A_525, %get3A_526] : memref<16x512xf32, #tpu.memory_space<vmem>>, vector<16x512xf32>
    %swap3A = arith.constant 0 : index
    %swap3A_528 = arith.constant 0 : index
    %swap3A_529 = arith.constant 0 : index
    %swap3A_530 = vector.load %arg7[%swap3A, %swap3A_528, %swap3A_529] : memref<1x16x512xf32, #tpu.memory_space<vmem>>, vector<1x16x512xf32>
    %swap3A_531 = vector.shape_cast %swap3A_530 : vector<1x16x512xf32> to vector<16x512xf32>
    %swap3A_532 = vector.shape_cast %get3A_527 : vector<16x512xf32> to vector<1x16x512xf32>
    tpu.vector_store %arg7[%swap3A, %swap3A_528, %swap3A_529], %swap3A_532 {strides = array<i32>} : memref<1x16x512xf32, #tpu.memory_space<vmem>>, vector<1x16x512xf32>,
    %get3A_533 = arith.constant 0 : index
    %get3A_534 = arith.constant 0 : index
    %get3A_535 = arith.constant 0 : index
    %get3A_536 = vector.load %arg2[%get3A_533, %get3A_534, %get3A_535] : memref<1x1x512xf32, #tpu.memory_space<vmem>>, vector<1x1x512xf32>
    %get3A_537 = vector.shape_cast %get3A_536 : vector<1x1x512xf32> to vector<1x512xf32>
    %convert_element_type3A = arith.truncf %get3A_537 : vector<1x512xf32> to vector<1x512xbf16>
    %get3A_538 = arith.constant 0 : index
    %get3A_539 = arith.constant 0 : index
    %get3A_540 = vector.load %arg4[%get3A_538, %get3A_539] : memref<512x2xbf16, #tpu.memory_space<vmem>>, vector<512x2xbf16>
    %dot_general3A = arith.constant dense<0.000000e+00> : vector<1x2xf32>
    %dot_general3A_541 = tpu.matmul %convert_element_type3A, %get3A_540, %dot_general3A {dimension_numbers = #tpu.dot_dimension_numbers<[1], [0], [0], [1], [0, 0, 1, 1], [], []>, transpose_lhs_hint = false} : vector<1x512xbf16>, vector<512x2xbf16>, vector<1x2xf32> -> vector<1x2xf32>
    %get3A_542 = arith.constant 0 : index
    %get3A_543 = arith.constant 0 : index
    %get3A_544 = vector.load %arg5[%get3A_542, %get3A_543] : memref<1x2xf32, #tpu.memory_space<vmem>>, vector<1x2xf32>
    %add3A_545 = arith.addf %dot_general3A_541, %get3A_544 : vector<1x2xf32>
    %swap3A_546 = arith.constant 0 : index
    %swap3A_547 = arith.constant 0 : index
    %swap3A_548 = arith.constant 0 : index
    %swap3A_549 = vector.load %arg6[%swap3A_546, %swap3A_547, %swap3A_548] : memref<1x1x2xf32, #tpu.memory_space<vmem>>, vector<1x1x2xf32>
    %swap3A_550 = vector.shape_cast %swap3A_549 : vector<1x1x2xf32> to vector<1x2xf32>
    %swap3A_551 = vector.shape_cast %add3A_545 : vector<1x2xf32> to vector<1x1x2xf32>
    tpu.vector_store %arg6[%swap3A_546, %swap3A_547, %swap3A_548], %swap3A_551 {strides = array<i32>} : memref<1x1x2xf32, #tpu.memory_space<vmem>>, vector<1x1x2xf32>,
    return
  }
  func.func @transform_0(%arg0: i32) -> (i32, i32, i32) {
    %c0_i32 = arith.constant 0 : i32
    %c0_i32_0 = arith.constant 0 : i32
    %c0_i32_1 = arith.constant 0 : i32
    return %arg0, %c0_i32, %c0_i32_0 : i32, i32, i32
  }
  func.func @transform_1(%arg0: i32) -> (i32, i32, i32) {
    %c0_i32 = arith.constant 0 : i32
    %c0_i32_0 = arith.constant 0 : i32
    %c0_i32_1 = arith.constant 0 : i32
    return %arg0, %c0_i32, %c0_i32_0 : i32, i32, i32
  }
  func.func @transform_3(%arg0: i32) -> (i32, i32) {
    %c0_i32 = arith.constant 0 : i32
    %c0_i32_0 = arith.constant 0 : i32
    %c0_i32_1 = arith.constant 0 : i32
    return %c0_i32, %c0_i32_0 : i32, i32
  }
  func.func @transform_4(%arg0: i32) -> (i32, i32) {
    %c0_i32 = arith.constant 0 : i32
    %c0_i32_0 = arith.constant 0 : i32
    %c0_i32_1 = arith.constant 0 : i32
    return %c0_i32, %c0_i32_0 : i32, i32
  }
  func.func @transform_5(%arg0: i32) -> (i32, i32, i32) {
    %c0_i32 = arith.constant 0 : i32
    %c0_i32_0 = arith.constant 0 : i32
    %c0_i32_1 = arith.constant 0 : i32
    return %arg0, %c0_i32, %c0_i32_0 : i32, i32, i32
  }
  func.func @transform_6(%arg0: i32) -> (i32, i32, i32) {
    %c0_i32 = arith.constant 0 : i32
    %c0_i32_0 = arith.constant 0 : i32
    %c0_i32_1 = arith.constant 0 : i32
    return %arg0, %c0_i32, %c0_i32_0 : i32, i32, i32
  }
}

</mosaic_0001>

<sc_bundles>
// kernel: kernel.6.cloned.1.call-start
scs
__scs_entry_jumppad:
0x0: {  	(pc) =	sbr.rel $0x88, $3  }
0x1: {  	(tag) =	ssettag $0x0;
	lr =	simm.s32 $0x1  }
0x2: {  	[smem:$0x3F97] =	sst lr;
	_ =	strace $0xD0000000  }
0x3: {  	_ = 	snop  }
0x4: {  	_ = 	snop  }
0x5: {  	_ = 	snop  }
0x6: {  	_ = 	snop  }
0x7: {  	_ = 	snop  }
__scs_overlays_trampoline_lowered:
0x8: {  	[smem:$0x3FA6] =	sst s0  }
0x9: {  	[smem:$0x3FA7] =	sst s1  }
0xa: {  	[smem:$0x3FA8] =	sst s2  }
0xb: {  	[smem:$0x3FA9] =	sst s3  }
0xc: {  	[smem:$0x3FAA] =	sst s4  }
0xd: {  	[smem:$0x3FAB] =	sst s5  }
0xe: {  	[smem:$0x3FAC] =	sst s6  }
0xf: {  	[smem:$0x3FAD] =	sst s7  }
0x10: {  	[smem:$0x3FAE] =	sst s8  }
0x11: {  	[smem:$0x3FAF] =	sst s9;
	s0 =	simm.s32 @!p0 $0x0  }
0x12: {  	s1 =	sld [smem:$0x3F95];
	s0 =	simm.s32 @p0 $0x1  }
0x13: {  	[smem:$0x3FB0] =	sst s0;
	s0 =	simm.s32 @!p1 $0x0  }
0x14: {  	s2 =	sld [smem:$0x3F94];
	s0 =	simm.s32 @p1 $0x1  }
0x15: {  	[smem:$0x3FB1] =	sst s0;
	s0 =	simm.s32 @!p2 $0x0  }
0x16: {  	s3 =	sld [smem:$0x3FDB];
	s0 =	simm.s32 @p2 $0x1  }
0x17: {  	s4 =	simm.s32 $0x1BF5;
	[smem:$0x3FB3] =	sst s0  }
0x18: {  	s0 =	sld [smem:$0x3F96];
	_ =	swait.ge [sflag:s4], $0x0  }
0x19: {  	s7 =	sld [smem:$0x3F97]  }
0x1a: {  	s8 =	sadd.s32 $0xFFFFE003, lr  }
0x1b: {  	s9 =	sadd.s32 $0xFFFFFEF7, lr;
	s5 =	simm.s32 $0xFFFFFFFF;
	p2 =	slt.u32 s8, $0xFFFFF086  }
0x1c: {  	p1 =	slt.u32 s9, $0xF7A;
	s5 =	simm.s32 @!p2 $0x0  }
0x1d: {  	s5 =	simm.s32 @p1 $0x1;
	p0 =	seq.s32 s7, s2  }
0x1e: {  	s7 =	smul.u32 @!p0 $0xF7A, s2;
	p2 =	seq.s32 @!p0 s5, $0x0  }
0x1f: {  	s9 =	smul.u32 $0xF7A, s1;
	s8 =	simm.s32 @!p0 $0x1BF5;
	p2 =	por !p2, p0  }
0x20: {  	[sflag:s8] =	ssyncset.s32 @!p0 $0xFFFFF086;
	s6 =	sadd.s32 @!p0 s3, s7;
	s7 =	simm.s32 @!p0 $0x108  }
0x21: {  	s3 =	sadd.s32 s3, s9;
	s6 =	sadd.s32 @!p0 $0x88, s6;
	s7 =	simm.s32 @p2 $0x1082  }
0x22: {  	[simem:s7], [sflag:s8] =	dma.local @!p0 [hbm:s6], $0xF7A  }
0x23: {  	s9 =	sor.u32 $0xD0000000, s2;
	s6 =	simm.s32 $0x108;
	_ =	swait.ge @!p0 [sflag:s8], $0x0  }
0x24: {  	s3 =	sadd.s32 $0x88, s3;
	s6 =	simm.s32 @!p1 $0x1082;
	[sflag:s4] =	ssyncset.s32 $0xFFFFF086  }
0x25: {  	[simem:s6], [sflag:s4] =	dma.local [hbm:s3], $0xF7A  }
0x26: {  	[smem:$0x3F97] =	sst s1;
	(tag) =	ssettag s2;
	_ =	strace s9  }
0x27: {  	s1 =	sld [smem:$0x3FA7]  }
0x28: {  	s2 =	sld [smem:$0x3FA8]  }
0x29: {  	s4 =	sld [smem:$0x3FAA]  }
0x2a: {  	p0 =	seq.s32 s5, $0x0;
	s5 =	sld [smem:$0x3FAB]  }
0x2b: {  	s6 =	sld [smem:$0x3FAC]  }
0x2c: {  	s7 =	sld [smem:$0x3FAD]  }
0x2d: {  	s3 =	simm.s32 $0x108;
	s8 =	sld [smem:$0x3FAE]  }
0x2e: {  	s3 =	simm.s32 @!p0 $0x1082;
	s9 =	sld [smem:$0x3FAF]  }
0x2f: {  	lr =	sadd.s32 s0, s3;
	s0 =	sld [smem:$0x3FA6]  }
0x30: {  	s3 =	sld [smem:$0x3FA9]  }
0x31: {  	[smem:$0x3FB2] =	sst s10  }
0x32: {  	s10 =	sld [smem:$0x3FB0];
	_ =	sdelay $0x3  }
0x33: {  	p0 =	seq.s32 s10, $0x1;
	s10 =	sld [smem:$0x3FB2];
	_ =	sdelay $0x3  }
0x34: {  	[smem:$0x3FB2] =	sst s10  }
0x35: {  	s10 =	sld [smem:$0x3FB1];
	_ =	sdelay $0x3  }
0x36: {  	p1 =	seq.s32 s10, $0x1;
	s10 =	sld [smem:$0x3FB2];
	_ =	sdelay $0x3  }
0x37: {  	[smem:$0x3FB2] =	sst s10  }
0x38: {  	s10 =	sld [smem:$0x3FB3]  }
0x39: {  	_ = 	snop;
	(pc) =	sbr.ind lr, $3  }
0x3a: {  	_ = 	snop  }
0x3b: {  	_ = 	snop  }
0x3c: {  	p2 =	seq.s32 s10, $0x1;
	s10 =	sld [smem:$0x3FB2]  }
0x3d: {  	_ =	shalt  }
0x3e: {  	_ =	shalt  }
0x3f: {  	_ =	shalt  }
0x40: {  	_ =	shalt  }
0x41: {  	_ =	shalt  }
0x42: {  	_ =	shalt  }
0x43: {  	_ =	shalt  }
0x44: {  	_ =	shalt  }
0x45: {  	_ =	shalt  }
0x46: {  	_ =	shalt  }
0x47: {  	_ =	shalt  }
0x48: {  	_ =	shalt  }
0x49: {  	_ =	shalt  }
0x4a: {  	_ =	shalt  }
0x4b: {  	_ =	shalt  }
0x4c: {  	_ =	shalt  }
0x4d: {  	_ =	shalt  }
0x4e: {  	_ =	shalt  }
0x4f: {  	_ =	shalt  }
0x50: {  	_ =	shalt  }
0x51: {  	_ =	shalt  }
0x52: {  	_ =	shalt  }
0x53: {  	_ =	shalt  }
0x54: {  	_ =	shalt  }
0x55: {  	_ =	shalt  }
0x56: {  	_ =	shalt  }
0x57: {  	_ =	shalt  }
0x58: {  	_ =	shalt  }
0x59: {  	_ =	shalt  }
0x5a: {  	_ =	shalt  }
0x5b: {  	_ =	shalt  }
0x5c: {  	_ =	shalt  }
0x5d: {  	_ =	shalt  }
0x5e: {  	_ =	shalt  }
0x5f: {  	_ =	shalt  }
0x60: {  	_ =	shalt  }
0x61: {  	_ =	shalt  }
0x62: {  	_ =	shalt  }
0x63: {  	_ =	shalt  }
0x64: {  	_ =	shalt  }
0x65: {  	_ =	shalt  }
0x66: {  	_ =	shalt  }
0x67: {  	_ =	shalt  }
0x68: {  	_ =	shalt  }
0x69: {  	_ =	shalt  }
0x6a: {  	_ =	shalt  }
0x6b: {  	_ =	shalt  }
0x6c: {  	_ =	shalt  }
0x6d: {  	_ =	shalt  }
0x6e: {  	_ =	shalt  }
0x6f: {  	_ =	shalt  }
0x70: {  	_ =	shalt  }
0x71: {  	_ =	shalt  }
0x72: {  	_ =	shalt  }
0x73: {  	_ =	shalt  }
0x74: {  	_ =	shalt  }
0x75: {  	_ =	shalt  }
0x76: {  	_ =	shalt  }
0x77: {  	_ =	shalt  }
0x78: {  	_ =	shalt  }
0x79: {  	_ =	shalt  }
0x7a: {  	_ =	shalt  }
0x7b: {  	_ =	shalt  }
0x7c: {  	_ =	shalt  }
0x7d: {  	_ =	shalt  }
0x7e: {  	_ =	shalt  }
0x7f: {  	_ =	shalt  }
0x80: {  	_ =	shalt  }
0x81: {  	_ =	shalt  }
0x82: {  	_ =	shalt  }
0x83: {  	_ =	shalt  }
0x84: {  	_ =	shalt  }
0x85: {  	_ =	shalt  }
0x86: {  	_ =	shalt  }
0x87: {  	_ =	shalt  }
.Lfunc_end0:
.L_simem_size_0:
called_computation_lowered:
.L_overlay_start_0:
0x88: {  	s2 =	sld [smem:$0x3FD9]  }
0x89: {  	s3 =	sld [smem:$0x3FFE];
	_ =	sdelay $0x1  }
0x8a: {  	s1 =	srdreg.scid  }
0x8b: {  	s0 =	sand.u32 $0x1, s1  }
0x8c: {  	s14 =	sshll.u32 s0, $0xA;
	s2 =	sadd.s32 s3, s2  }
0x8d: {  	s2 =	sadd.s32 s2, s14  }
0x8e: {  	[smem:$0x3FBE] =	sst s2  }
0x8f: {  	_ = 	snop  }
0x90: {  	s2 =	sld [smem:$0x3FD0];
	_ =	sdelay $0x2  }
0x91: {  	s15 =	simm.s32 $0xA;
	s4 =	simm.s32 $0x10  }
0x92: {  	[smem:s4], [sflag:s15] =	dma.local [hbm:s2], $0x1  }
0x93: {  	_ =	swait.eq [sflag:s15], $0x1  }
0x94: {  	[sflag:s15] =	ssyncset.done $0x0  }
0x95: {  	[sflag:s15] =	ssyncadd.s32 $0xFFFFFFFF  }
0x96: {  	s16 =	sld [smem:$0x11];
	(tm) =	ssettm $0x1  }
0x97: {  	s17 =	sld [smem:$0x3FFB];
	_ =	sdelay $0x3  }
0x98: {  	_ =	strace s17  }
0x99: {  	s3 =	sld [smem:$0x3FFC];
	_ =	sdelay $0x3  }
0x9a: {  	_ =	strace s3  }
0x9b: {  	s3 =	sld [smem:$0x3FFD];
	_ =	sdelay $0x3  }
0x9c: {  	_ =	strace s3  }
0x9d: {  	_ =	strace $0x8FFFFFFF  }
0x9e: {  	s18 =	sld [smem:$0x3FDB];
	_ =	sdelay $0x1  }
0x9f: {  	s19 =	simm.s32 $_scs_section_size  }
0xa0: {  	s5 =	simm.s32 $_size__tile_overlayer_lowered;
	s6 =	simm.s32 $_tile_overlayer_lowered  }
0xa1: {  	s22 =	simm.s32 $0x1BFF;
	s21 =	sshll.u32 s6, $0x1;
	s3 =	sadd.s32 s19, s18  }
0xa2: {  	s7 =	simm.s32 $0x0;
	s20 =	sshll.u32 s5, $0x1;
	s5 =	sadd.s32 s21, s3  }
0xa3: {  	[timem:s7], [sflag:s22] =	dma.local [hbm:s5], s20  }
0xa4: {  	_ =	swait.ge [sflag:s22], s20  }
0xa5: {  	s4 =	ssub.s32 $0x0, s20;
	[sflag:s22] =	ssyncset.done $0x0  }
0xa6: {  	[sflag:s22] =	ssyncadd.s32 s4;
	_ =	sdelay $0x1  }
0xa7: {  	s23 =	simm.s32 $0x1B8B  }
0xa8: {  	_ =	swait.ge [sflag:s23], $0x1  }
0xa9: {  	[sflag:s23] =	ssyncset.done $0x0  }
0xaa: {  	s25 =	simm.s32 $0x1B8E;
	s24 =	sld [smem:$0x3FFE];
	[sflag:s23] =	ssyncadd.s32 $0xFFFFFFFF  }
0xab: {  	s26 =	simm.s32 $execute0_lowered;
	[smem:$0x3FD2] =	sst s25  }
0xac: {  	s5 =	sshll.u32 s26, $0x1;
	_ =	strace $0x80000046;
	[dreg:$0x1] =	wrdreg $0xFFFFFFFF  }
0xad: {  	s28 =	simm.s32 $_size_execute0_lowered;
	s3 =	sadd.s32 s3, s5;
	[dreg:$0x0] =	wrdreg $0x0  }
0xae: {  	s5 =	sshll.u32 s28, $0x1;
	[dreg:$0x2] =	wrdreg s3  }
0xaf: {  	[dreg:$0x3] =	wrdreg s5  }
0xb0: {  	[dreg:$0x4] =	wrdreg $0xC0  }
0xb1: {  	_ =	task [dreg:s7], $0x5FFFF  }
0xb2: {  	[dreg:$0x1] =	wrdreg $0xFFFFFFFF  }
0xb3: {  	[dreg:$0x0] =	wrdreg $0x60  }
0xb4: {  	[dreg:$0x2] =	wrdreg s16  }
0xb5: {  	[dreg:$0x3] =	wrdreg s24  }
0xb6: {  	[dreg:$0x4] =	wrdreg $0x9  }
0xb7: {  	_ =	task.clear_ibuf [dreg:s7], $0x5FFFF;
	_ =	strace $0x90000046  }
0xb8: {  	s29 =	simm.s32 $0x9;
	_ =	strace $0x80000048  }
0xb9: {  	_ =	swait.ge [sflag:s29], $0x1  }
0xba: {  	[sflag:s29] =	ssyncadd.s32 $0xFFFFFFFF  }
0xbb: {  	_ =	strace $0x90000048  }
0xbc: {  	_ =	sfence  }
0xbd: {  	s30 =	sld [smem:$0x0];
	_ =	sdelay $0x2  }
0xbe: {  	s31 =	sshll.u32 s1, $0xD;
	s1 =	sshrl.u32 s1, $0x2  }
0xbf: {  	s3 =	sand.u32 $0x4000, s31;
	s1 =	sadd.s32 s1, s30  }
0xc0: {  	s0 =	sor.u32 s3, s0;
	s1 =	sshll.u32 s1, $0x11  }
0xc1: {  	s0 =	sor.u32 s1, s0  }
0xc2: {  	s0 =	sadd.s32 $0x8F2B, s0  }
0xc3: {  	[sflag:s0] =	ssyncadd.remote.s32 $0x1  }
0xc4: {  	_ =	sfence.sel $0xFFFF  }
0xc5: {  	[dreg:$0x0] =	wrdreg $0xFFFFFFFF;
	(pc) =	sbr.abs _section_cstart, $3  }
0xc6: {  	[dreg:$0x1] =	wrdreg $0xFFFFFFFF  }
0xc7: {  	_ =	task.clear_ibuf [dreg:s7], $0x2FFFF;
	_ =	strace $0x9FFFFFFF  }
0xc8: {  	(tm) =	ssettm $0x7FFFFFFF  }
0xc9: {  	_ =	shalt  }
tec
execute0_lowered:
.L_overlay_start_1:
0x0: {  	(tag) =	ssettag $0x1  }
0x1: {  	s10 =	rddreg [dreg:$0x0]  }
0x2: {  	s7 =	rddreg [dreg:$0x1]  }
0x3: {  	s0 =	rddreg [dreg:$0x2]  }
0x4: {  	s3 =	srdreg.scid;
	s1 =	stileid.u32  }
0x5: {  	s2 =	simm.s32 $0x0;
	s16 =	simm.s32 $0xD80;
	s17 =	simm.s32 $0x1580  }
0x6: {  	s18 =	simm.s32 $0x0;
	s5 =	sand.u32 $0x1, s3;
	s8 =	smul.u32 $0x31000, s1  }
0x7: {  	s30 =	sshll.u32 s1, $0x1;
	[smem:$0x7FF] =	sst s2;
	s13 =	smul.u32 $0xC40, s1  }
0x8: {  	s4 =	sadd.s32 $0xC4A00, s7;
	s3 =	sor.u32 s5, s30;
	s9 =	smul.u32 $0x18800, s5  }
0x9: {  	_ =	strace $0x80000047;
	s12 =	ssub.s32 $0x2, s5;
	s15 =	smul.u32 $0x620, s5  }
0xa: {  	s6 =	smul.u32 $0x620, s3;
	s8 =	sadd.s32 s8, s7;
	s14 =	sshrl.u32 s12, $0x1  }
0xb: {  	s3 =	sadd.s32 $0x3D1E00, s7;
	s12 =	ssub.s32 s12, s14;
	s9 =	sadd.s32 s9, s8  }
0xc: {  	s31 =	sadd.s32 s15, s13;
	s13 =	simm.s32 $0x680;
	s14 =	simm.s32 $0x1  }
0xd: {  	s15 =	simm.s32 $0xD00;
	s6 =	sshrl.u32 s6, $0x3;
	s8 =	smax.u32 s12, $0x1  }
0xe: {  	v0 =	vlaneseq.u32;
	s9 =	sadd.s32 $0x3D3800, s9;
	s12 =	simm.s32 $0x620;
	s11 =	sadd.s32 s6, s7  }
0xf: {  	v1 =	vshrl.u32 v0, $0x3;
	s5 =	sadd.s32 s10, s6;
	s6 =	sadd.s32 $0x1400, s11;
	s11 =	sshrl.u32 s31, $0x3  }
0x10: {  	vm0 =	vmmov $0xffff;
	v0 =	vand.u32 $0x7, v0;
	v1 =	vmul.u32 $0x8, v1;
	s7 =	sadd.s32 $0xC4B00, s7;
	s10 =	sadd.s32 s11, s10;
	s11 =	simm.s32 $0x2  }
.LBB2_1:
0x11: {  	[tilespmem:s2], [sflag:$0x2] =	stream.linear.gather [hbm4b:s5+s2], $0x620, $0x38;
	[tilespmem:$0x1D80] =	vst v63  }
0x12: {  	_ =	swait.ge [sflag:s11], $0x620  }
0x13: {  	[sflag:s11] =	ssyncset.done $0x0  }
0x14: {  	[sflag:s11] =	ssyncadd.s32 $0xFFFFF9E0  }
0x15: {  	[tilespmem:s13], [sflag:$0x1] =	stream.indirect.gather [hbm4b:s3+s12], $0x1, s2, s12, $0xb8;
	[tilespmem:$0x1D80] =	vst v63  }
0x16: {  	_ =	swait.ge [sflag:s14], $0x620  }
0x17: {  	[sflag:s14] =	ssyncset.done $0x0  }
0x18: {  	[sflag:s14] =	ssyncadd.s32 $0xFFFFF9E0  }
0x19: {  	[hbm4b:s6+s2] =	stream.linear.scatter [tilespmem:s13], [sflag:$0x2], $0x620, $0x38;
	[tilespmem:$0x1D80] =	vst v63  }
0x1a: {  	_ =	swait.ge [sflag:s11], $0x620  }
0x1b: {  	[sflag:s11] =	ssyncset.done $0x0  }
0x1c: {  	s19 =	sadd.s32 $0x0, s10;
	[sflag:s11] =	ssyncadd.s32 $0xFFFFF9E0  }
0x1d: {  	[tilespmem:s15], [sflag:$0x2] =	stream.linear.gather [hbm4b:s19+s2], $0x8, $0x38;
	[tilespmem:$0x1D80] =	vst v63  }
0x1e: {  	_ =	swait.ge [sflag:s11], $0x8  }
0x1f: {  	[sflag:s11] =	ssyncset.done $0x0  }
0x20: {  	[sflag:s11] =	ssyncadd.s32 $0xFFFFFFF8  }
0x21: {  	v2 =	vld.msk [tilespmem:$0xD00], $0xff;
	_ =	sdelay $0x4  }
0x22: {  	v3 =	vshll.u32 v2, $0x2  }
0x23: {  	v2 =	vand.u32 $0x7, v2;
	v3 =	vand.u32 $0xFFFFFFE0, v3  }
0x24: {  	v2 =	vor.u32 v2, v3  }
0x25: {  	v2 =	vperm.xlane v2, v0;
	_ =	sdelay $0x1  }
0x26: {  	v2 =	vadd.s32 v1, v2;
	_ =	sdelay $0x4  }
0x27: {  	[tilespmem:s16], [sflag:$0x1] =	stream.indirect_vreg.gather [hbm4b:s4+s2], $0x80, v2, vm0, $0xb8;
	[tilespmem:$0x1D80] =	vst v63  }
0x28: {  	_ = 	snop  }
0x29: {  	[tilespmem:s17], [sflag:$0x1] =	stream.indirect_vreg.gather [hbm4b:s7+s2], $0x80, v2, vm0, $0xb8;
	[tilespmem:$0x1D80] =	vst v63  }
0x2a: {  	_ =	swait.ge [sflag:s14], $0x1000  }
0x2b: {  	[sflag:s14] =	ssyncset.done $0x0  }
0x2c: {  	[sflag:s14] =	ssyncadd.s32 $0xFFFFF000  }
0x2d: {  	[hbm4b:s9+s2] =	stream.linear.scatter [tilespmem:s16], [sflag:$0x2], $0x1000, $0x38;
	[tilespmem:$0x1D80] =	vst v63  }
0x2e: {  	s20 =	simm.s32 $0x1;
	_ =	swait.ge [sflag:s11], $0x1000  }
0x2f: {  	s21 =	simm.s32 $0x2;
	s19 =	sadd.s32 $0x200, s9;
	[sflag:s11] =	ssyncset.done $0x0  }
.LBB2_2:
0x30: {  	s22 =	sadd.s32 s20, s10  }
0x31: {  	[sflag:s11] =	ssyncadd.s32 $0xFFFFF000;
	s20 =	smov.u32 s21;
	s23 =	sadd.s32 $0x1, s21  }
0x32: {  	[tilespmem:s15], [sflag:$0x2] =	stream.linear.gather [hbm4b:s22+s2], $0x8, $0x38;
	[tilespmem:$0x1D80] =	vst v63  }
0x33: {  	p0 =	sne.s32 s21, $0xC3;
	_ =	swait.ge [sflag:s11], $0x8  }
0x34: {  	[sflag:s11] =	ssyncset.done $0x0  }
0x35: {  	[sflag:s11] =	ssyncadd.s32 $0xFFFFFFF8  }
0x36: {  	v2 =	vld.msk [tilespmem:$0xD00], $0xff;
	_ =	sdelay $0x4  }
0x37: {  	v3 =	vshll.u32 v2, $0x2  }
0x38: {  	v2 =	vand.u32 $0x7, v2;
	v3 =	vand.u32 $0xFFFFFFE0, v3  }
0x39: {  	v2 =	vor.u32 v2, v3  }
0x3a: {  	v2 =	vperm.xlane v2, v0;
	_ =	sdelay $0x1  }
0x3b: {  	v2 =	vadd.s32 v1, v2;
	_ =	sdelay $0x4  }
0x3c: {  	[tilespmem:s16], [sflag:$0x1] =	stream.indirect_vreg.gather [hbm4b:s4+s2], $0x80, v2, vm0, $0xb8;
	[tilespmem:$0x1D80] =	vst v63  }
0x3d: {  	_ = 	snop  }
0x3e: {  	[tilespmem:s17], [sflag:$0x1] =	stream.indirect_vreg.gather [hbm4b:s7+s2], $0x80, v2, vm0, $0xb8;
	[tilespmem:$0x1D80] =	vst v63  }
0x3f: {  	_ =	swait.ge [sflag:s14], $0x1000  }
.Ltmp0:
0x40: {  	[sflag:s14] =	ssyncset.done $0x0;
	(pc) =	sbr.rel @p0 .LBB2_2-.Ltmp0, $4  }
0x41: {  	[sflag:s14] =	ssyncadd.s32 $0xFFFFF000  }
0x42: {  	[hbm4b:s19+s2] =	stream.linear.scatter [tilespmem:s16], [sflag:$0x2], $0x1000, $0x38;
	[tilespmem:$0x1D80] =	vst v63  }
0x43: {  	_ =	swait.ge [sflag:s11], $0x1000  }
0x44: {  	s21 =	smov.u32 s23;
	s19 =	sadd.s32 $0x200, s19;
	[sflag:s11] =	ssyncset.done $0x0  }
0x45: {  	s20 =	sadd.s32 s20, s10;
	[sflag:s11] =	ssyncadd.s32 $0xFFFFF000  }
0x46: {  	[tilespmem:s15], [sflag:$0x2] =	stream.linear.gather [hbm4b:s20+s2], $0x8, $0x38;
	[tilespmem:$0x1D80] =	vst v63  }
0x47: {  	_ =	swait.ge [sflag:s11], $0x8  }
0x48: {  	[sflag:s11] =	ssyncset.done $0x0  }
0x49: {  	[sflag:s11] =	ssyncadd.s32 $0xFFFFFFF8  }
0x4a: {  	v2 =	vld.msk [tilespmem:$0xD00], $0xff;
	_ =	sdelay $0x4  }
0x4b: {  	v3 =	vshll.u32 v2, $0x2  }
0x4c: {  	v2 =	vand.u32 $0x7, v2;
	v3 =	vand.u32 $0xFFFFFFE0, v3  }
0x4d: {  	v2 =	vor.u32 v2, v3  }
0x4e: {  	v2 =	vperm.xlane v2, v0;
	_ =	sdelay $0x1  }
0x4f: {  	v2 =	vadd.s32 v1, v2;
	_ =	sdelay $0x4  }
0x50: {  	[tilespmem:s16], [sflag:$0x1] =	stream.indirect_vreg.gather [hbm4b:s4+s2], $0x80, v2, vm0, $0xb8;
	[tilespmem:$0x1D80] =	vst v63  }
0x51: {  	_ = 	snop  }
0x52: {  	[tilespmem:s17], [sflag:$0x1] =	stream.indirect_vreg.gather [hbm4b:s7+s2], $0x80, v2, vm0, $0xb8;
	[tilespmem:$0x1D80] =	vst v63  }
0x53: {  	s18 =	sadd.s32 $0x1, s18;
	_ =	swait.ge [sflag:s14], $0x1000  }
0x54: {  	p0 =	sne.s32 s18, s8;
	[sflag:s14] =	ssyncset.done $0x0  }
.Ltmp1:
0x55: {  	[sflag:s14] =	ssyncadd.s32 $0xFFFFF000;
	(pc) =	sbr.rel @p0 .LBB2_1-.Ltmp1, $4  }
0x56: {  	[hbm4b:s19+s2] =	stream.linear.scatter [tilespmem:s16], [sflag:$0x2], $0x1000, $0x38;
	[tilespmem:$0x1D80] =	vst v63  }
0x57: {  	_ =	swait.ge [sflag:s11], $0x1000  }
0x58: {  	[sflag:s11] =	ssyncset.done $0x0  }
0x59: {  	[sflag:s11] =	ssyncadd.s32 $0xFFFFF000  }
0x5a: {  	_ =	sfence.sel $0x180000  }
0x5b: {  	[bflag:$0x0] =	sbarrier.arrive $0xFFFF  }
0x5c: {  	p0 =	sne.s32 s1, $0x0;
	_ =	strace $0x90000047  }
0x5d: {  	s0 =	sadd.s32 @!p0 $0x100000, s0;
	[bflag:$0x2] =	sbarrier.arrive $0xFFFF  }
0x5e: {  	[sflag:s0] =	ssyncadd.tile.s32 @!p0 $0x1;
	_ =	shalt  }
.Lfunc_end2:
_tile_overlayer_lowered:
.L_overlay_start_2:
0x5f: {  	(tag) =	ssettag $0x2  }
0x60: {  	s0 =	rddreg [dreg:$0x0];
	s2 =	stileid.u32  }
0x61: {  	s1 =	rddreg [dreg:$0x1];
	p0 =	sne.s32 s2, $0x0  }
0x62: {  	s3 =	rddreg [dreg:$0x2];
	[bflag:$0x3] =	sbarrier.arrive $0xFFFF;
	s2 =	simm.s32 @!p0 $0x1C02  }
0x63: {  	[timem:s3], [sflag:s2] =	dma.local @!p0 [hbm:s0], s1  }
0x64: {  	s0 =	simm.s32 @!p0 $0x2  }
0x65: {  	_ =	swait.ge @!p0 [sflag:s0], s1  }
0x66: {  	s1 =	ssub.s32 @!p0 $0x0, s1;
	[sflag:s0] =	ssyncset.done @!p0 $0x0  }
0x67: {  	[sflag:s0] =	ssyncadd.s32 @!p0 s1  }
0x68: {  	[bflag:$0x3] =	sbarrier.arrive $0xFFFF  }
0x69: {  	_ =	shalt  }

</sc_bundles>
